<compile_context>
chip_gen: v7x
topology: tpu7x:2x2x1
jax: 0.10.2.dev20260603
libtpu: 0.0.44.dev20260713+nightly
codegen_flags: <defaults>
</compile_context>

<pallas_src>
import dataclasses
import functools

import jax
import jax.numpy as jnp
from jax import lax
from jax.experimental import pallas as pl
from jax.experimental.pallas import tpu as pltpu
from jax.experimental.pallas import tpu_sc as plsc

N = 10000
D = 128
E = 320000
NC = 2
NS = 16
NW = NC * NS
EPT = E // NW
WIN = 125
NWIN = EPT // WIN
NPAD = 10240
ROWS = NPAD // 16
RPT = ROWS // NS
NPT = N // NS
RBLK = 1000

_mesh = plsc.VectorSubcoreMesh(core_axis_name="c", subcore_axis_name="s")

_sc_params = pltpu.CompilerParams(needs_layout_passes=False,
                                  use_tc_tiling_on_sc=False)


NR = N // 16


@functools.partial(
    pl.kernel,
    out_type=jax.ShapeDtypeStruct((NC, NR, 16), jnp.float32),
    mesh=_mesh,
    scratch_types=[
        pltpu.VMEM((EPT,), jnp.int32),
        pltpu.VMEM((ROWS, 16), jnp.float32),
        pltpu.VMEM((ROWS // 128, 128), jnp.int32),
        pltpu.VMEM_SHARED((ROWS, 16), jnp.float32),
    ],
    compiler_params=_sc_params,
)
def _sc_deg(e_hbm, deg_out, didx, hist, iot, degsh):
    cid = lax.axis_index("c")
    sid = lax.axis_index("s")
    wid = cid * NS + sid

    z16 = jnp.zeros((16,), jnp.float32)

    @pl.loop(0, ROWS)
    def _(i):
        hist[i, :] = z16

    pltpu.sync_copy(hist.at[pl.ds(0, RPT)], degsh.at[pl.ds(sid * RPT, RPT)])

    for w in range(ROWS // 128):
        for j in range(8):
            iot[w, pl.ds(j * 16, 16)] = (
                jnp.arange(16, dtype=jnp.int32) + (w * 128 + j * 16))

    pltpu.sync_copy(e_hbm.at[1, wid], didx)

    @pl.loop(0, EPT // 16, unroll=4)
    def _(i):
        v = didx[pl.ds(i * 16, 16)]
        cnt, last = plsc.scan_count(v)
        row = lax.div(v, 16)
        col = lax.rem(v, 16)
        plsc.addupdate_scatter(hist, [row, col], cnt.astype(jnp.float32),
                               mask=last)

    plsc.subcore_barrier()
    for w in range(ROWS // 128):
        pltpu.sync_copy(hist.at[pl.ds(w * 128, 128)],
                        degsh.at[iot.at[w]], add=True)
    plsc.subcore_barrier()
    st = jnp.minimum(sid * RPT, NR - RPT)
    pltpu.sync_copy(degsh.at[pl.ds(st, RPT)],
                    deg_out.at[cid, pl.ds(st, RPT)])


@functools.partial(
    pl.kernel,
    out_type=jax.ShapeDtypeStruct((NC, N, D), jnp.float32),
    mesh=_mesh,
    scratch_types=[
        pltpu.VMEM((NWIN // 2, WIN), jnp.int32),
        pltpu.VMEM((NWIN // 2, WIN), jnp.int32),
        pltpu.VMEM((WIN, D), jnp.float32),
        pltpu.VMEM((WIN, D), jnp.float32),
        pltpu.VMEM_SHARED((N, D), jnp.float32),
        pltpu.SemaphoreType.DMA,
        pltpu.SemaphoreType.DMA,
        pltpu.SemaphoreType.DMA,
        pltpu.SemaphoreType.DMA,
    ],
    compiler_params=_sc_params,
)
def _sc_agg(h2_hbm, e_hbm, acc_out, sidx, didx, gb0, gb1, accsh,
            gsem0, gsem1, ssem0, ssem1):
    cid = lax.axis_index("c")
    sid = lax.axis_index("s")
    wid = cid * NS + sid

    z16 = jnp.zeros((16,), jnp.float32)

    @pl.loop(0, WIN)
    def _(i):
        for j in range(D // 16):
            gb0[i, pl.ds(j * 16, 16)] = z16

    for k in range(NPT // WIN):
        pltpu.sync_copy(gb0, accsh.at[pl.ds(sid * NPT + k * WIN, WIN)])
    _rem = NPT % WIN
    if _rem:
        pltpu.sync_copy(
            gb0.at[pl.ds(0, _rem)],
            accsh.at[pl.ds(sid * NPT + (NPT // WIN) * WIN, _rem)])

    plsc.subcore_barrier()

    def g_start(w, buf, sem):
        pltpu.async_copy(h2_hbm.at[sidx.at[w]], buf, sem)

    def g_wait(w, buf, sem):
        pltpu.make_async_copy(h2_hbm.at[sidx.at[w]], buf, sem).wait()

    def s_start(w, buf, sem):
        pltpu.async_copy(buf, accsh.at[didx.at[w]], sem, add=True)

    def s_wait(w, buf, sem):
        pltpu.make_async_copy(buf, accsh.at[didx.at[w]], sem).wait()

    WPC = NWIN // 2
    for ch in range(2):
        pltpu.sync_copy(e_hbm.at[0, wid, pl.ds(ch * WPC, WPC)], sidx)
        pltpu.sync_copy(e_hbm.at[1, wid, pl.ds(ch * WPC, WPC)], didx)

        g_start(0, gb0, gsem0)
        g_start(1, gb1, gsem1)

        @pl.loop(0, WPC, step=2)
        def _(w):
            g_wait(w, gb0, gsem0)
            s_start(w, gb0, ssem0)
            s_wait(w, gb0, ssem0)

            @pl.when(w + 2 < WPC)
            def _():
                g_start(w + 2, gb0, gsem0)

            g_wait(w + 1, gb1, gsem1)
            s_start(w + 1, gb1, ssem1)
            s_wait(w + 1, gb1, ssem1)

            @pl.when(w + 3 < WPC)
            def _():
                g_start(w + 3, gb1, gsem1)

    plsc.subcore_barrier()
    pltpu.sync_copy(accsh.at[pl.ds(sid * NPT, NPT)],
                    acc_out.at[cid, pl.ds(sid * NPT, NPT)])


GB = 5
GR = NR // GB


def _scale_body(x_ref, dp_ref, x2_ref):
    i = pl.program_id(0)
    dinv = lax.rsqrt(dp_ref[0, i] + dp_ref[1, i] + 1.0)
    x3 = x_ref[...].reshape(GR, 16, D)
    x2_ref[...] = (x3 * dinv[:, :, None]).reshape(GR * 16, D)


def _tc_scale(x, degp4):
    return pl.pallas_call(
        _scale_body,
        grid=(GB,),
        in_specs=[
            pl.BlockSpec((GR * 16, D), lambda i: (i, 0)),
            pl.BlockSpec((NC, GB, GR, 16), lambda i: (0, 0, 0, 0)),
        ],
        out_specs=pl.BlockSpec((GR * 16, D), lambda i: (i, 0)),
        out_shape=jax.ShapeDtypeStruct((N, D), jnp.float32),
    )(x, degp4)


def _fin_body(acc_ref, x2_ref, dp_ref, w_ref, b_ref, o_ref):
    i = pl.program_id(0)
    dinv = lax.rsqrt(dp_ref[0, i] + dp_ref[1, i] + 1.0)
    s3 = (acc_ref[0] + acc_ref[1] + x2_ref[...]).reshape(GR, 16, D)
    t = (s3 * dinv[:, :, None]).reshape(GR * 16, D)
    h = jnp.dot(t, w_ref[...], preferred_element_type=jnp.float32)
    o_ref[...] = jnp.maximum(h + b_ref[...], 0.0)


def _tc_finish(accp, x2, degp4, w, b2):
    return pl.pallas_call(
        _fin_body,
        grid=(GB,),
        in_specs=[
            pl.BlockSpec((NC, GR * 16, D), lambda i: (0, i, 0)),
            pl.BlockSpec((GR * 16, D), lambda i: (i, 0)),
            pl.BlockSpec((NC, GB, GR, 16), lambda i: (0, 0, 0, 0)),
            pl.BlockSpec((D, D), lambda i: (0, 0)),
            pl.BlockSpec((1, D), lambda i: (0, 0)),
        ],
        out_specs=pl.BlockSpec((GR * 16, D), lambda i: (i, 0)),
        out_shape=jax.ShapeDtypeStruct((N, D), jnp.float32),
    )(accp, x2, degp4, w, b2)


@jax.jit
def kernel(x, edge_index, W, b):
    ei = edge_index.astype(jnp.int32)
    eA = ei.reshape(2, NW, EPT)
    eB = ei.reshape(2, NW, NWIN, WIN)

    degp = _sc_deg(eA)
    degp4 = degp.reshape(NC, GB, GR, 16)
    x2 = _tc_scale(x, degp4)
    accp = _sc_agg(x2, eB)
    return _tc_finish(accp, x2, degp4, W, b.reshape(1, D))

# --- scband reference (transcript-rebuilt; emitter-appended) ---
"""Pipeline reference for scband-crd-6828998001543 (READ-ONLY COPY).

The authoritative reference and input builder live on the scoring server;
editing this copy changes nothing except your own understanding.
"""

import jax, jax.numpy as jnp
import numpy as np

N_NODES = 10000
D_IN = 128
D_OUT = 128
N_EDGES = 320000


def setup_inputs(seed: int = 0) -> dict:
    key = jax.random.key(seed)
    k_x, k_e, k_w, k_b = jax.random.split(key, 4)
    x = jax.random.normal(k_x, (N_NODES, D_IN), dtype=jnp.float32)
    edge_index = jax.random.randint(k_e, (2, N_EDGES), 0, N_NODES, dtype=jnp.int64)
    # GCNConv linear weight (Glorot) and bias (zeros in torch_geometric init)
    limit = float(np.sqrt(6.0 / (D_IN + D_OUT)))
    W = jax.random.uniform(k_w, (D_IN, D_OUT), dtype=jnp.float32, minval=-limit, maxval=limit)
    b = jnp.zeros((D_OUT,), dtype=jnp.float32)
    return {"x": x, "edge_index": edge_index, "W": W, "b": b}


def reference(x, edge_index, W, b):
    # CRD.forward: x = relu(GCNConv(x, edge_index)); dropout is identity in eval.
    N = x.shape[0]
    src = edge_index[0]
    dst = edge_index[1]
    # GCNConv default: add self-loops, symmetric normalization
    loop = jnp.arange(N, dtype=src.dtype)
    src_full = jnp.concatenate([src, loop])
    dst_full = jnp.concatenate([dst, loop])
    edge_weight = jnp.ones((src_full.shape[0],), dtype=x.dtype)
    deg = jnp.zeros((N,), dtype=x.dtype).at[dst_full].add(edge_weight)
    deg_inv_sqrt = jnp.where(deg > 0, jax.lax.rsqrt(jnp.maximum(deg, 1e-12)), 0.0)
    norm = deg_inv_sqrt[src_full] * edge_weight * deg_inv_sqrt[dst_full]
    # linear transform first (in_channels >= out_channels path)
    h = x @ W
    # propagate: gather messages from src, scale, scatter-add to dst
    msg = h[src_full] * norm[:, None]
    out = jnp.zeros((N, h.shape[1]), dtype=x.dtype).at[dst_full].add(msg)
    out = out + b
    # relu; dropout (training=False) is identity
    return jax.nn.relu(out)

if __name__ == "__main__":
    import jax
    _d = setup_inputs()
    print(jax.jit(kernel)(*tuple(_d.values())))

</pallas_src>

<mosaic_0001>
#map = affine_map<(d0, d1) -> (0, 0, 0)>
module attributes {stable_mosaic.version = 14 : i64} {
  func.func @_sc_deg(%arg0: i32, %arg1: i32, %arg2: memref<2x32x10000xi32, #tpu.memory_space<hbm>>, %arg3: memref<2x625x16xf32, #tpu.memory_space<hbm>>, %arg4: memref<10000xi32, #tpu.memory_space<vmem>>, %arg5: memref<640x16xf32, #tpu.memory_space<vmem>>, %arg6: memref<5x128xi32, #tpu.memory_space<vmem>>, %arg7: memref<640x16xf32, #tpu.memory_space<vmem_shared>>) attributes {dimension_semantics = [#tpu.dimension_semantics<core_parallel>, #tpu.dimension_semantics<subcore_parallel>], iteration_bounds = array<i64: 2, 16>, scalar_prefetch = 0 : i64, scratch_operands = 4 : i64, tpu.core_type = #tpu.core_type<sc_vector_subcore>, window_params = [{transform_indices = #map}, {transform_indices = #map}]} {
    %mul3A = arith.constant 16 : i32
    %mul3A_0 = arith.muli %arg0, %mul3A : i32
    %add3A = arith.addi %mul3A_0, %arg1 : i32
    %broadcast_in_dim3A = arith.constant 0.000000e+00 : f32
    %broadcast_in_dim3A_1 = vector.broadcast %broadcast_in_dim3A : f32 to vector<16xf32>
    %scan3A = arith.constant 0 : i32
    %scan3A_2 = arith.constant 640 : i32
    %scan3A_3 = arith.addi %scan3A, %scan3A_2 : i32
    %scan3A_4 = arith.constant 1 : i32
    scf.for %scan3A_356 = %scan3A to %scan3A_3 step %scan3A_4  : i32 {
      %mul3A_357 = arith.constant 1 : i32
      %mul3A_358 = arith.muli %scan3A_356, %mul3A_357 : i32
      %add3A_359 = arith.constant 0 : i32
      %add3A_360 = arith.addi %add3A_359, %mul3A_358 : i32
      %swap3A_361 = arith.index_cast %add3A_360 : i32 to index
      %swap3A_362 = arith.constant 0 : index
      %swap3A_363 = tpu.vector_load %arg5[%swap3A_361, %swap3A_362] {strides = array<i32>} : memref<640x16xf32, #tpu.memory_space<vmem>>, vector<16xf32>,
      tpu.vector_store %arg5[%swap3A_361, %swap3A_362], %broadcast_in_dim3A_1 {strides = array<i32>} : memref<640x16xf32, #tpu.memory_space<vmem>>, vector<16xf32>,
    }
    %scan3A_5 = arith.constant 640 : i32
    %mul3A_6 = arith.constant 40 : i32
    %mul3A_7 = arith.muli %arg1, %mul3A_6 : i32
    "tpu.region"() ({
      %run_scoped3A_356 = tpu.sem_alloc : memref<!tpu.dma_semaphore, #tpu.memory_space<semaphore_mem>>
      %dma_start3A = arith.constant 0 : i32
      %dma_start3A_357 = arith.constant 0 : i32
      %dma_start3A_358 = tpu.memref_slice %arg5[%dma_start3A, %dma_start3A_357] : memref<640x16xf32, #tpu.memory_space<vmem>> -> memref<40x16xf32, #tpu.memory_space<vmem>>
      %dma_start3A_359 = arith.constant 0 : i32
      %dma_start3A_360 = tpu.memref_slice %arg7[%mul3A_7, %dma_start3A_359] : memref<640x16xf32, #tpu.memory_space<vmem_shared>> -> memref<40x16xf32, #tpu.memory_space<vmem_shared>>
      %dma_start3A_361 = arith.constant 0 : i32
      %dma_start3A_362 = tpu.memref_slice %arg7[%mul3A_7, %dma_start3A_361] : memref<640x16xf32, #tpu.memory_space<vmem_shared>> -> memref<40x16xf32, #tpu.memory_space<vmem_shared>>
      %dma_start3A_363 = arith.constant 0 : i32
      %dma_start3A_364 = arith.constant 0 : i32
      %dma_start3A_365 = tpu.memref_slice %arg5[%dma_start3A_363, %dma_start3A_364] : memref<640x16xf32, #tpu.memory_space<vmem>> -> memref<40x16xf32, #tpu.memory_space<vmem>>
      tpu.enqueue_dma source(%dma_start3A_365 : memref<40x16xf32, #tpu.memory_space<vmem>>) target(%dma_start3A_362 : memref<40x16xf32, #tpu.memory_space<vmem_shared>>) target_semaphore(%run_scoped3A_356 : memref<!tpu.dma_semaphore, #tpu.memory_space<semaphore_mem>>)
      %dma_wait3A = arith.constant 0 : i32
      %dma_wait3A_366 = arith.constant 0 : i32
      %dma_wait3A_367 = tpu.memref_slice %arg5[%dma_wait3A, %dma_wait3A_366] : memref<640x16xf32, #tpu.memory_space<vmem>> -> memref<40x16xf32, #tpu.memory_space<vmem>>
      %dma_wait3A_368 = arith.constant 0 : i32
      %dma_wait3A_369 = tpu.memref_slice %arg7[%mul3A_7, %dma_wait3A_368] : memref<640x16xf32, #tpu.memory_space<vmem_shared>> -> memref<40x16xf32, #tpu.memory_space<vmem_shared>>
      %dma_wait3A_370 = arith.constant 0 : i32
      %dma_wait3A_371 = tpu.memref_slice %arg7[%mul3A_7, %dma_wait3A_370] : memref<640x16xf32, #tpu.memory_space<vmem_shared>> -> memref<40x16xf32, #tpu.memory_space<vmem_shared>>
      %dma_wait3A_372 = arith.constant 0 : i32
      %dma_wait3A_373 = arith.constant 0 : i32
      %dma_wait3A_374 = tpu.memref_slice %arg5[%dma_wait3A_372, %dma_wait3A_373] : memref<640x16xf32, #tpu.memory_space<vmem>> -> memref<40x16xf32, #tpu.memory_space<vmem>>
      tpu.wait_dma2 semaphore(%run_scoped3A_356 : memref<!tpu.dma_semaphore, #tpu.memory_space<semaphore_mem>>) src(%dma_wait3A_374 : memref<40x16xf32, #tpu.memory_space<vmem>>) dst(%dma_wait3A_371 : memref<40x16xf32, #tpu.memory_space<vmem_shared>>)
      tpu.yield
    }) : () -> ()
    %iota3A = tpu.iota {dimensions = array<i32: 0>} : vector<16xi32>
    %add3A_8 = arith.constant 0 : i32
    %add3A_9 = vector.broadcast %add3A_8 : i32 to vector<16xi32>
    %add3A_10 = arith.addi %iota3A, %add3A_9 : vector<16xi32>
    %swap3A = arith.constant 0 : i32
    %swap3A_11 = arith.index_cast %swap3A : i32 to index
    %swap3A_12 = arith.constant 0 : index
    %swap3A_13 = tpu.vector_load %arg6[%swap3A_11, %swap3A_12] {strides = array<i32>} : memref<5x128xi32, #tpu.memory_space<vmem>>, vector<16xi32>,
    tpu.vector_store %arg6[%swap3A_11, %swap3A_12], %add3A_10 {strides = array<i32>} : memref<5x128xi32, #tpu.memory_space<vmem>>, vector<16xi32>,
    %iota3A_14 = tpu.iota {dimensions = array<i32: 0>} : vector<16xi32>
    %add3A_15 = arith.constant 16 : i32
    %add3A_16 = vector.broadcast %add3A_15 : i32 to vector<16xi32>
    %add3A_17 = arith.addi %iota3A_14, %add3A_16 : vector<16xi32>
    %swap3A_18 = arith.constant 0 : i32
    %swap3A_19 = arith.index_cast %swap3A_18 : i32 to index
    %swap3A_20 = arith.constant 16 : index
    %swap3A_21 = tpu.vector_load %arg6[%swap3A_19, %swap3A_20] {strides = array<i32>} : memref<5x128xi32, #tpu.memory_space<vmem>>, vector<16xi32>,
    tpu.vector_store %arg6[%swap3A_19, %swap3A_20], %add3A_17 {strides = array<i32>} : memref<5x128xi32, #tpu.memory_space<vmem>>, vector<16xi32>,
    %iota3A_22 = tpu.iota {dimensions = array<i32: 0>} : vector<16xi32>
    %add3A_23 = arith.constant 32 : i32
    %add3A_24 = vector.broadcast %add3A_23 : i32 to vector<16xi32>
    %add3A_25 = arith.addi %iota3A_22, %add3A_24 : vector<16xi32>
    %swap3A_26 = arith.constant 0 : i32
    %swap3A_27 = arith.index_cast %swap3A_26 : i32 to index
    %swap3A_28 = arith.constant 32 : index
    %swap3A_29 = tpu.vector_load %arg6[%swap3A_27, %swap3A_28] {strides = array<i32>} : memref<5x128xi32, #tpu.memory_space<vmem>>, vector<16xi32>,
    tpu.vector_store %arg6[%swap3A_27, %swap3A_28], %add3A_25 {strides = array<i32>} : memref<5x128xi32, #tpu.memory_space<vmem>>, vector<16xi32>,
    %iota3A_30 = tpu.iota {dimensions = array<i32: 0>} : vector<16xi32>
    %add3A_31 = arith.constant 48 : i32
    %add3A_32 = vector.broadcast %add3A_31 : i32 to vector<16xi32>
    %add3A_33 = arith.addi %iota3A_30, %add3A_32 : vector<16xi32>
    %swap3A_34 = arith.constant 0 : i32
    %swap3A_35 = arith.index_cast %swap3A_34 : i32 to index
    %swap3A_36 = arith.constant 48 : index
    %swap3A_37 = tpu.vector_load %arg6[%swap3A_35, %swap3A_36] {strides = array<i32>} : memref<5x128xi32, #tpu.memory_space<vmem>>, vector<16xi32>,
    tpu.vector_store %arg6[%swap3A_35, %swap3A_36], %add3A_33 {strides = array<i32>} : memref<5x128xi32, #tpu.memory_space<vmem>>, vector<16xi32>,
    %iota3A_38 = tpu.iota {dimensions = array<i32: 0>} : vector<16xi32>
    %add3A_39 = arith.constant 64 : i32
    %add3A_40 = vector.broadcast %add3A_39 : i32 to vector<16xi32>
    %add3A_41 = arith.addi %iota3A_38, %add3A_40 : vector<16xi32>
    %swap3A_42 = arith.constant 0 : i32
    %swap3A_43 = arith.index_cast %swap3A_42 : i32 to index
    %swap3A_44 = arith.constant 64 : index
    %swap3A_45 = tpu.vector_load %arg6[%swap3A_43, %swap3A_44] {strides = array<i32>} : memref<5x128xi32, #tpu.memory_space<vmem>>, vector<16xi32>,
    tpu.vector_store %arg6[%swap3A_43, %swap3A_44], %add3A_41 {strides = array<i32>} : memref<5x128xi32, #tpu.memory_space<vmem>>, vector<16xi32>,
    %iota3A_46 = tpu.iota {dimensions = array<i32: 0>} : vector<16xi32>
    %add3A_47 = arith.constant 80 : i32
    %add3A_48 = vector.broadcast %add3A_47 : i32 to vector<16xi32>
    %add3A_49 = arith.addi %iota3A_46, %add3A_48 : vector<16xi32>
    %swap3A_50 = arith.constant 0 : i32
    %swap3A_51 = arith.index_cast %swap3A_50 : i32 to index
    %swap3A_52 = arith.constant 80 : index
    %swap3A_53 = tpu.vector_load %arg6[%swap3A_51, %swap3A_52] {strides = array<i32>} : memref<5x128xi32, #tpu.memory_space<vmem>>, vector<16xi32>,
    tpu.vector_store %arg6[%swap3A_51, %swap3A_52], %add3A_49 {strides = array<i32>} : memref<5x128xi32, #tpu.memory_space<vmem>>, vector<16xi32>,
    %iota3A_54 = tpu.iota {dimensions = array<i32: 0>} : vector<16xi32>
    %add3A_55 = arith.constant 96 : i32
    %add3A_56 = vector.broadcast %add3A_55 : i32 to vector<16xi32>
    %add3A_57 = arith.addi %iota3A_54, %add3A_56 : vector<16xi32>
    %swap3A_58 = arith.constant 0 : i32
    %swap3A_59 = arith.index_cast %swap3A_58 : i32 to index
    %swap3A_60 = arith.constant 96 : index
    %swap3A_61 = tpu.vector_load %arg6[%swap3A_59, %swap3A_60] {strides = array<i32>} : memref<5x128xi32, #tpu.memory_space<vmem>>, vector<16xi32>,
    tpu.vector_store %arg6[%swap3A_59, %swap3A_60], %add3A_57 {strides = array<i32>} : memref<5x128xi32, #tpu.memory_space<vmem>>, vector<16xi32>,
    %iota3A_62 = tpu.iota {dimensions = array<i32: 0>} : vector<16xi32>
    %add3A_63 = arith.constant 112 : i32
    %add3A_64 = vector.broadcast %add3A_63 : i32 to vector<16xi32>
    %add3A_65 = arith.addi %iota3A_62, %add3A_64 : vector<16xi32>
    %swap3A_66 = arith.constant 0 : i32
    %swap3A_67 = arith.index_cast %swap3A_66 : i32 to index
    %swap3A_68 = arith.constant 112 : index
    %swap3A_69 = tpu.vector_load %arg6[%swap3A_67, %swap3A_68] {strides = array<i32>} : memref<5x128xi32, #tpu.memory_space<vmem>>, vector<16xi32>,
    tpu.vector_store %arg6[%swap3A_67, %swap3A_68], %add3A_65 {strides = array<i32>} : memref<5x128xi32, #tpu.memory_space<vmem>>, vector<16xi32>,
    %iota3A_70 = tpu.iota {dimensions = array<i32: 0>} : vector<16xi32>
    %add3A_71 = arith.constant 128 : i32
    %add3A_72 = vector.broadcast %add3A_71 : i32 to vector<16xi32>
    %add3A_73 = arith.addi %iota3A_70, %add3A_72 : vector<16xi32>
    %swap3A_74 = arith.constant 1 : i32
    %swap3A_75 = arith.index_cast %swap3A_74 : i32 to index
    %swap3A_76 = arith.constant 0 : index
    %swap3A_77 = tpu.vector_load %arg6[%swap3A_75, %swap3A_76] {strides = array<i32>} : memref<5x128xi32, #tpu.memory_space<vmem>>, vector<16xi32>,
    tpu.vector_store %arg6[%swap3A_75, %swap3A_76], %add3A_73 {strides = array<i32>} : memref<5x128xi32, #tpu.memory_space<vmem>>, vector<16xi32>,
    %iota3A_78 = tpu.iota {dimensions = array<i32: 0>} : vector<16xi32>
    %add3A_79 = arith.constant 144 : i32
    %add3A_80 = vector.broadcast %add3A_79 : i32 to vector<16xi32>
    %add3A_81 = arith.addi %iota3A_78, %add3A_80 : vector<16xi32>
    %swap3A_82 = arith.constant 1 : i32
    %swap3A_83 = arith.index_cast %swap3A_82 : i32 to index
    %swap3A_84 = arith.constant 16 : index
    %swap3A_85 = tpu.vector_load %arg6[%swap3A_83, %swap3A_84] {strides = array<i32>} : memref<5x128xi32, #tpu.memory_space<vmem>>, vector<16xi32>,
    tpu.vector_store %arg6[%swap3A_83, %swap3A_84], %add3A_81 {strides = array<i32>} : memref<5x128xi32, #tpu.memory_space<vmem>>, vector<16xi32>,
    %iota3A_86 = tpu.iota {dimensions = array<i32: 0>} : vector<16xi32>
    %add3A_87 = arith.constant 160 : i32
    %add3A_88 = vector.broadcast %add3A_87 : i32 to vector<16xi32>
    %add3A_89 = arith.addi %iota3A_86, %add3A_88 : vector<16xi32>
    %swap3A_90 = arith.constant 1 : i32
    %swap3A_91 = arith.index_cast %swap3A_90 : i32 to index
    %swap3A_92 = arith.constant 32 : index
    %swap3A_93 = tpu.vector_load %arg6[%swap3A_91, %swap3A_92] {strides = array<i32>} : memref<5x128xi32, #tpu.memory_space<vmem>>, vector<16xi32>,
    tpu.vector_store %arg6[%swap3A_91, %swap3A_92], %add3A_89 {strides = array<i32>} : memref<5x128xi32, #tpu.memory_space<vmem>>, vector<16xi32>,
    %iota3A_94 = tpu.iota {dimensions = array<i32: 0>} : vector<16xi32>
    %add3A_95 = arith.constant 176 : i32
    %add3A_96 = vector.broadcast %add3A_95 : i32 to vector<16xi32>
    %add3A_97 = arith.addi %iota3A_94, %add3A_96 : vector<16xi32>
    %swap3A_98 = arith.constant 1 : i32
    %swap3A_99 = arith.index_cast %swap3A_98 : i32 to index
    %swap3A_100 = arith.constant 48 : index
    %swap3A_101 = tpu.vector_load %arg6[%swap3A_99, %swap3A_100] {strides = array<i32>} : memref<5x128xi32, #tpu.memory_space<vmem>>, vector<16xi32>,
    tpu.vector_store %arg6[%swap3A_99, %swap3A_100], %add3A_97 {strides = array<i32>} : memref<5x128xi32, #tpu.memory_space<vmem>>, vector<16xi32>,
    %iota3A_102 = tpu.iota {dimensions = array<i32: 0>} : vector<16xi32>
    %add3A_103 = arith.constant 192 : i32
    %add3A_104 = vector.broadcast %add3A_103 : i32 to vector<16xi32>
    %add3A_105 = arith.addi %iota3A_102, %add3A_104 : vector<16xi32>
    %swap3A_106 = arith.constant 1 : i32
    %swap3A_107 = arith.index_cast %swap3A_106 : i32 to index
    %swap3A_108 = arith.constant 64 : index
    %swap3A_109 = tpu.vector_load %arg6[%swap3A_107, %swap3A_108] {strides = array<i32>} : memref<5x128xi32, #tpu.memory_space<vmem>>, vector<16xi32>,
    tpu.vector_store %arg6[%swap3A_107, %swap3A_108], %add3A_105 {strides = array<i32>} : memref<5x128xi32, #tpu.memory_space<vmem>>, vector<16xi32>,
    %iota3A_110 = tpu.iota {dimensions = array<i32: 0>} : vector<16xi32>
    %add3A_111 = arith.constant 208 : i32
    %add3A_112 = vector.broadcast %add3A_111 : i32 to vector<16xi32>
    %add3A_113 = arith.addi %iota3A_110, %add3A_112 : vector<16xi32>
    %swap3A_114 = arith.constant 1 : i32
    %swap3A_115 = arith.index_cast %swap3A_114 : i32 to index
    %swap3A_116 = arith.constant 80 : index
    %swap3A_117 = tpu.vector_load %arg6[%swap3A_115, %swap3A_116] {strides = array<i32>} : memref<5x128xi32, #tpu.memory_space<vmem>>, vector<16xi32>,
    tpu.vector_store %arg6[%swap3A_115, %swap3A_116], %add3A_113 {strides = array<i32>} : memref<5x128xi32, #tpu.memory_space<vmem>>, vector<16xi32>,
    %iota3A_118 = tpu.iota {dimensions = array<i32: 0>} : vector<16xi32>
    %add3A_119 = arith.constant 224 : i32
    %add3A_120 = vector.broadcast %add3A_119 : i32 to vector<16xi32>
    %add3A_121 = arith.addi %iota3A_118, %add3A_120 : vector<16xi32>
    %swap3A_122 = arith.constant 1 : i32
    %swap3A_123 = arith.index_cast %swap3A_122 : i32 to index
    %swap3A_124 = arith.constant 96 : index
    %swap3A_125 = tpu.vector_load %arg6[%swap3A_123, %swap3A_124] {strides = array<i32>} : memref<5x128xi32, #tpu.memory_space<vmem>>, vector<16xi32>,
    tpu.vector_store %arg6[%swap3A_123, %swap3A_124], %add3A_121 {strides = array<i32>} : memref<5x128xi32, #tpu.memory_space<vmem>>, vector<16xi32>,
    %iota3A_126 = tpu.iota {dimensions = array<i32: 0>} : vector<16xi32>
    %add3A_127 = arith.constant 240 : i32
    %add3A_128 = vector.broadcast %add3A_127 : i32 to vector<16xi32>
    %add3A_129 = arith.addi %iota3A_126, %add3A_128 : vector<16xi32>
    %swap3A_130 = arith.constant 1 : i32
    %swap3A_131 = arith.index_cast %swap3A_130 : i32 to index
    %swap3A_132 = arith.constant 112 : index
    %swap3A_133 = tpu.vector_load %arg6[%swap3A_131, %swap3A_132] {strides = array<i32>} : memref<5x128xi32, #tpu.memory_space<vmem>>, vector<16xi32>,
    tpu.vector_store %arg6[%swap3A_131, %swap3A_132], %add3A_129 {strides = array<i32>} : memref<5x128xi32, #tpu.memory_space<vmem>>, vector<16xi32>,
    %iota3A_134 = tpu.iota {dimensions = array<i32: 0>} : vector<16xi32>
    %add3A_135 = arith.constant 256 : i32
    %add3A_136 = vector.broadcast %add3A_135 : i32 to vector<16xi32>
    %add3A_137 = arith.addi %iota3A_134, %add3A_136 : vector<16xi32>
    %swap3A_138 = arith.constant 2 : i32
    %swap3A_139 = arith.index_cast %swap3A_138 : i32 to index
    %swap3A_140 = arith.constant 0 : index
    %swap3A_141 = tpu.vector_load %arg6[%swap3A_139, %swap3A_140] {strides = array<i32>} : memref<5x128xi32, #tpu.memory_space<vmem>>, vector<16xi32>,
    tpu.vector_store %arg6[%swap3A_139, %swap3A_140], %add3A_137 {strides = array<i32>} : memref<5x128xi32, #tpu.memory_space<vmem>>, vector<16xi32>,
    %iota3A_142 = tpu.iota {dimensions = array<i32: 0>} : vector<16xi32>
    %add3A_143 = arith.constant 272 : i32
    %add3A_144 = vector.broadcast %add3A_143 : i32 to vector<16xi32>
    %add3A_145 = arith.addi %iota3A_142, %add3A_144 : vector<16xi32>
    %swap3A_146 = arith.constant 2 : i32
    %swap3A_147 = arith.index_cast %swap3A_146 : i32 to index
    %swap3A_148 = arith.constant 16 : index
    %swap3A_149 = tpu.vector_load %arg6[%swap3A_147, %swap3A_148] {strides = array<i32>} : memref<5x128xi32, #tpu.memory_space<vmem>>, vector<16xi32>,
    tpu.vector_store %arg6[%swap3A_147, %swap3A_148], %add3A_145 {strides = array<i32>} : memref<5x128xi32, #tpu.memory_space<vmem>>, vector<16xi32>,
    %iota3A_150 = tpu.iota {dimensions = array<i32: 0>} : vector<16xi32>
    %add3A_151 = arith.constant 288 : i32
    %add3A_152 = vector.broadcast %add3A_151 : i32 to vector<16xi32>
    %add3A_153 = arith.addi %iota3A_150, %add3A_152 : vector<16xi32>
    %swap3A_154 = arith.constant 2 : i32
    %swap3A_155 = arith.index_cast %swap3A_154 : i32 to index
    %swap3A_156 = arith.constant 32 : index
    %swap3A_157 = tpu.vector_load %arg6[%swap3A_155, %swap3A_156] {strides = array<i32>} : memref<5x128xi32, #tpu.memory_space<vmem>>, vector<16xi32>,
    tpu.vector_store %arg6[%swap3A_155, %swap3A_156], %add3A_153 {strides = array<i32>} : memref<5x128xi32, #tpu.memory_space<vmem>>, vector<16xi32>,
    %iota3A_158 = tpu.iota {dimensions = array<i32: 0>} : vector<16xi32>
    %add3A_159 = arith.constant 304 : i32
    %add3A_160 = vector.broadcast %add3A_159 : i32 to vector<16xi32>
    %add3A_161 = arith.addi %iota3A_158, %add3A_160 : vector<16xi32>
    %swap3A_162 = arith.constant 2 : i32
    %swap3A_163 = arith.index_cast %swap3A_162 : i32 to index
    %swap3A_164 = arith.constant 48 : index
    %swap3A_165 = tpu.vector_load %arg6[%swap3A_163, %swap3A_164] {strides = array<i32>} : memref<5x128xi32, #tpu.memory_space<vmem>>, vector<16xi32>,
    tpu.vector_store %arg6[%swap3A_163, %swap3A_164], %add3A_161 {strides = array<i32>} : memref<5x128xi32, #tpu.memory_space<vmem>>, vector<16xi32>,
    %iota3A_166 = tpu.iota {dimensions = array<i32: 0>} : vector<16xi32>
    %add3A_167 = arith.constant 320 : i32
    %add3A_168 = vector.broadcast %add3A_167 : i32 to vector<16xi32>
    %add3A_169 = arith.addi %iota3A_166, %add3A_168 : vector<16xi32>
    %swap3A_170 = arith.constant 2 : i32
    %swap3A_171 = arith.index_cast %swap3A_170 : i32 to index
    %swap3A_172 = arith.constant 64 : index
    %swap3A_173 = tpu.vector_load %arg6[%swap3A_171, %swap3A_172] {strides = array<i32>} : memref<5x128xi32, #tpu.memory_space<vmem>>, vector<16xi32>,
    tpu.vector_store %arg6[%swap3A_171, %swap3A_172], %add3A_169 {strides = array<i32>} : memref<5x128xi32, #tpu.memory_space<vmem>>, vector<16xi32>,
    %iota3A_174 = tpu.iota {dimensions = array<i32: 0>} : vector<16xi32>
    %add3A_175 = arith.constant 336 : i32
    %add3A_176 = vector.broadcast %add3A_175 : i32 to vector<16xi32>
    %add3A_177 = arith.addi %iota3A_174, %add3A_176 : vector<16xi32>
    %swap3A_178 = arith.constant 2 : i32
    %swap3A_179 = arith.index_cast %swap3A_178 : i32 to index
    %swap3A_180 = arith.constant 80 : index
    %swap3A_181 = tpu.vector_load %arg6[%swap3A_179, %swap3A_180] {strides = array<i32>} : memref<5x128xi32, #tpu.memory_space<vmem>>, vector<16xi32>,
    tpu.vector_store %arg6[%swap3A_179, %swap3A_180], %add3A_177 {strides = array<i32>} : memref<5x128xi32, #tpu.memory_space<vmem>>, vector<16xi32>,
    %iota3A_182 = tpu.iota {dimensions = array<i32: 0>} : vector<16xi32>
    %add3A_183 = arith.constant 352 : i32
    %add3A_184 = vector.broadcast %add3A_183 : i32 to vector<16xi32>
    %add3A_185 = arith.addi %iota3A_182, %add3A_184 : vector<16xi32>
    %swap3A_186 = arith.constant 2 : i32
    %swap3A_187 = arith.index_cast %swap3A_186 : i32 to index
    %swap3A_188 = arith.constant 96 : index
    %swap3A_189 = tpu.vector_load %arg6[%swap3A_187, %swap3A_188] {strides = array<i32>} : memref<5x128xi32, #tpu.memory_space<vmem>>, vector<16xi32>,
    tpu.vector_store %arg6[%swap3A_187, %swap3A_188], %add3A_185 {strides = array<i32>} : memref<5x128xi32, #tpu.memory_space<vmem>>, vector<16xi32>,
    %iota3A_190 = tpu.iota {dimensions = array<i32: 0>} : vector<16xi32>
    %add3A_191 = arith.constant 368 : i32
    %add3A_192 = vector.broadcast %add3A_191 : i32 to vector<16xi32>
    %add3A_193 = arith.addi %iota3A_190, %add3A_192 : vector<16xi32>
    %swap3A_194 = arith.constant 2 : i32
    %swap3A_195 = arith.index_cast %swap3A_194 : i32 to index
    %swap3A_196 = arith.constant 112 : index
    %swap3A_197 = tpu.vector_load %arg6[%swap3A_195, %swap3A_196] {strides = array<i32>} : memref<5x128xi32, #tpu.memory_space<vmem>>, vector<16xi32>,
    tpu.vector_store %arg6[%swap3A_195, %swap3A_196], %add3A_193 {strides = array<i32>} : memref<5x128xi32, #tpu.memory_space<vmem>>, vector<16xi32>,
    %iota3A_198 = tpu.iota {dimensions = array<i32: 0>} : vector<16xi32>
    %add3A_199 = arith.constant 384 : i32
    %add3A_200 = vector.broadcast %add3A_199 : i32 to vector<16xi32>
    %add3A_201 = arith.addi %iota3A_198, %add3A_200 : vector<16xi32>
    %swap3A_202 = arith.constant 3 : i32
    %swap3A_203 = arith.index_cast %swap3A_202 : i32 to index
    %swap3A_204 = arith.constant 0 : index
    %swap3A_205 = tpu.vector_load %arg6[%swap3A_203, %swap3A_204] {strides = array<i32>} : memref<5x128xi32, #tpu.memory_space<vmem>>, vector<16xi32>,
    tpu.vector_store %arg6[%swap3A_203, %swap3A_204], %add3A_201 {strides = array<i32>} : memref<5x128xi32, #tpu.memory_space<vmem>>, vector<16xi32>,
    %iota3A_206 = tpu.iota {dimensions = array<i32: 0>} : vector<16xi32>
    %add3A_207 = arith.constant 400 : i32
    %add3A_208 = vector.broadcast %add3A_207 : i32 to vector<16xi32>
    %add3A_209 = arith.addi %iota3A_206, %add3A_208 : vector<16xi32>
    %swap3A_210 = arith.constant 3 : i32
    %swap3A_211 = arith.index_cast %swap3A_210 : i32 to index
    %swap3A_212 = arith.constant 16 : index
    %swap3A_213 = tpu.vector_load %arg6[%swap3A_211, %swap3A_212] {strides = array<i32>} : memref<5x128xi32, #tpu.memory_space<vmem>>, vector<16xi32>,
    tpu.vector_store %arg6[%swap3A_211, %swap3A_212], %add3A_209 {strides = array<i32>} : memref<5x128xi32, #tpu.memory_space<vmem>>, vector<16xi32>,
    %iota3A_214 = tpu.iota {dimensions = array<i32: 0>} : vector<16xi32>
    %add3A_215 = arith.constant 416 : i32
    %add3A_216 = vector.broadcast %add3A_215 : i32 to vector<16xi32>
    %add3A_217 = arith.addi %iota3A_214, %add3A_216 : vector<16xi32>
    %swap3A_218 = arith.constant 3 : i32
    %swap3A_219 = arith.index_cast %swap3A_218 : i32 to index
    %swap3A_220 = arith.constant 32 : index
    %swap3A_221 = tpu.vector_load %arg6[%swap3A_219, %swap3A_220] {strides = array<i32>} : memref<5x128xi32, #tpu.memory_space<vmem>>, vector<16xi32>,
    tpu.vector_store %arg6[%swap3A_219, %swap3A_220], %add3A_217 {strides = array<i32>} : memref<5x128xi32, #tpu.memory_space<vmem>>, vector<16xi32>,
    %iota3A_222 = tpu.iota {dimensions = array<i32: 0>} : vector<16xi32>
    %add3A_223 = arith.constant 432 : i32
    %add3A_224 = vector.broadcast %add3A_223 : i32 to vector<16xi32>
    %add3A_225 = arith.addi %iota3A_222, %add3A_224 : vector<16xi32>
    %swap3A_226 = arith.constant 3 : i32
    %swap3A_227 = arith.index_cast %swap3A_226 : i32 to index
    %swap3A_228 = arith.constant 48 : index
    %swap3A_229 = tpu.vector_load %arg6[%swap3A_227, %swap3A_228] {strides = array<i32>} : memref<5x128xi32, #tpu.memory_space<vmem>>, vector<16xi32>,
    tpu.vector_store %arg6[%swap3A_227, %swap3A_228], %add3A_225 {strides = array<i32>} : memref<5x128xi32, #tpu.memory_space<vmem>>, vector<16xi32>,
    %iota3A_230 = tpu.iota {dimensions = array<i32: 0>} : vector<16xi32>
    %add3A_231 = arith.constant 448 : i32
    %add3A_232 = vector.broadcast %add3A_231 : i32 to vector<16xi32>
    %add3A_233 = arith.addi %iota3A_230, %add3A_232 : vector<16xi32>
    %swap3A_234 = arith.constant 3 : i32
    %swap3A_235 = arith.index_cast %swap3A_234 : i32 to index
    %swap3A_236 = arith.constant 64 : index
    %swap3A_237 = tpu.vector_load %arg6[%swap3A_235, %swap3A_236] {strides = array<i32>} : memref<5x128xi32, #tpu.memory_space<vmem>>, vector<16xi32>,
    tpu.vector_store %arg6[%swap3A_235, %swap3A_236], %add3A_233 {strides = array<i32>} : memref<5x128xi32, #tpu.memory_space<vmem>>, vector<16xi32>,
    %iota3A_238 = tpu.iota {dimensions = array<i32: 0>} : vector<16xi32>
    %add3A_239 = arith.constant 464 : i32
    %add3A_240 = vector.broadcast %add3A_239 : i32 to vector<16xi32>
    %add3A_241 = arith.addi %iota3A_238, %add3A_240 : vector<16xi32>
    %swap3A_242 = arith.constant 3 : i32
    %swap3A_243 = arith.index_cast %swap3A_242 : i32 to index
    %swap3A_244 = arith.constant 80 : index
    %swap3A_245 = tpu.vector_load %arg6[%swap3A_243, %swap3A_244] {strides = array<i32>} : memref<5x128xi32, #tpu.memory_space<vmem>>, vector<16xi32>,
    tpu.vector_store %arg6[%swap3A_243, %swap3A_244], %add3A_241 {strides = array<i32>} : memref<5x128xi32, #tpu.memory_space<vmem>>, vector<16xi32>,
    %iota3A_246 = tpu.iota {dimensions = array<i32: 0>} : vector<16xi32>
    %add3A_247 = arith.constant 480 : i32
    %add3A_248 = vector.broadcast %add3A_247 : i32 to vector<16xi32>
    %add3A_249 = arith.addi %iota3A_246, %add3A_248 : vector<16xi32>
    %swap3A_250 = arith.constant 3 : i32
    %swap3A_251 = arith.index_cast %swap3A_250 : i32 to index
    %swap3A_252 = arith.constant 96 : index
    %swap3A_253 = tpu.vector_load %arg6[%swap3A_251, %swap3A_252] {strides = array<i32>} : memref<5x128xi32, #tpu.memory_space<vmem>>, vector<16xi32>,
    tpu.vector_store %arg6[%swap3A_251, %swap3A_252], %add3A_249 {strides = array<i32>} : memref<5x128xi32, #tpu.memory_space<vmem>>, vector<16xi32>,
    %iota3A_254 = tpu.iota {dimensions = array<i32: 0>} : vector<16xi32>
    %add3A_255 = arith.constant 496 : i32
    %add3A_256 = vector.broadcast %add3A_255 : i32 to vector<16xi32>
    %add3A_257 = arith.addi %iota3A_254, %add3A_256 : vector<16xi32>
    %swap3A_258 = arith.constant 3 : i32
    %swap3A_259 = arith.index_cast %swap3A_258 : i32 to index
    %swap3A_260 = arith.constant 112 : index
    %swap3A_261 = tpu.vector_load %arg6[%swap3A_259, %swap3A_260] {strides = array<i32>} : memref<5x128xi32, #tpu.memory_space<vmem>>, vector<16xi32>,
    tpu.vector_store %arg6[%swap3A_259, %swap3A_260], %add3A_257 {strides = array<i32>} : memref<5x128xi32, #tpu.memory_space<vmem>>, vector<16xi32>,
    %iota3A_262 = tpu.iota {dimensions = array<i32: 0>} : vector<16xi32>
    %add3A_263 = arith.constant 512 : i32
    %add3A_264 = vector.broadcast %add3A_263 : i32 to vector<16xi32>
    %add3A_265 = arith.addi %iota3A_262, %add3A_264 : vector<16xi32>
    %swap3A_266 = arith.constant 4 : i32
    %swap3A_267 = arith.index_cast %swap3A_266 : i32 to index
    %swap3A_268 = arith.constant 0 : index
    %swap3A_269 = tpu.vector_load %arg6[%swap3A_267, %swap3A_268] {strides = array<i32>} : memref<5x128xi32, #tpu.memory_space<vmem>>, vector<16xi32>,
    tpu.vector_store %arg6[%swap3A_267, %swap3A_268], %add3A_265 {strides = array<i32>} : memref<5x128xi32, #tpu.memory_space<vmem>>, vector<16xi32>,
    %iota3A_270 = tpu.iota {dimensions = array<i32: 0>} : vector<16xi32>
    %add3A_271 = arith.constant 528 : i32
    %add3A_272 = vector.broadcast %add3A_271 : i32 to vector<16xi32>
    %add3A_273 = arith.addi %iota3A_270, %add3A_272 : vector<16xi32>
    %swap3A_274 = arith.constant 4 : i32
    %swap3A_275 = arith.index_cast %swap3A_274 : i32 to index
    %swap3A_276 = arith.constant 16 : index
    %swap3A_277 = tpu.vector_load %arg6[%swap3A_275, %swap3A_276] {strides = array<i32>} : memref<5x128xi32, #tpu.memory_space<vmem>>, vector<16xi32>,
    tpu.vector_store %arg6[%swap3A_275, %swap3A_276], %add3A_273 {strides = array<i32>} : memref<5x128xi32, #tpu.memory_space<vmem>>, vector<16xi32>,
    %iota3A_278 = tpu.iota {dimensions = array<i32: 0>} : vector<16xi32>
    %add3A_279 = arith.constant 544 : i32
    %add3A_280 = vector.broadcast %add3A_279 : i32 to vector<16xi32>
    %add3A_281 = arith.addi %iota3A_278, %add3A_280 : vector<16xi32>
    %swap3A_282 = arith.constant 4 : i32
    %swap3A_283 = arith.index_cast %swap3A_282 : i32 to index
    %swap3A_284 = arith.constant 32 : index
    %swap3A_285 = tpu.vector_load %arg6[%swap3A_283, %swap3A_284] {strides = array<i32>} : memref<5x128xi32, #tpu.memory_space<vmem>>, vector<16xi32>,
    tpu.vector_store %arg6[%swap3A_283, %swap3A_284], %add3A_281 {strides = array<i32>} : memref<5x128xi32, #tpu.memory_space<vmem>>, vector<16xi32>,
    %iota3A_286 = tpu.iota {dimensions = array<i32: 0>} : vector<16xi32>
    %add3A_287 = arith.constant 560 : i32
    %add3A_288 = vector.broadcast %add3A_287 : i32 to vector<16xi32>
    %add3A_289 = arith.addi %iota3A_286, %add3A_288 : vector<16xi32>
    %swap3A_290 = arith.constant 4 : i32
    %swap3A_291 = arith.index_cast %swap3A_290 : i32 to index
    %swap3A_292 = arith.constant 48 : index
    %swap3A_293 = tpu.vector_load %arg6[%swap3A_291, %swap3A_292] {strides = array<i32>} : memref<5x128xi32, #tpu.memory_space<vmem>>, vector<16xi32>,
    tpu.vector_store %arg6[%swap3A_291, %swap3A_292], %add3A_289 {strides = array<i32>} : memref<5x128xi32, #tpu.memory_space<vmem>>, vector<16xi32>,
    %iota3A_294 = tpu.iota {dimensions = array<i32: 0>} : vector<16xi32>
    %add3A_295 = arith.constant 576 : i32
    %add3A_296 = vector.broadcast %add3A_295 : i32 to vector<16xi32>
    %add3A_297 = arith.addi %iota3A_294, %add3A_296 : vector<16xi32>
    %swap3A_298 = arith.constant 4 : i32
    %swap3A_299 = arith.index_cast %swap3A_298 : i32 to index
    %swap3A_300 = arith.constant 64 : index
    %swap3A_301 = tpu.vector_load %arg6[%swap3A_299, %swap3A_300] {strides = array<i32>} : memref<5x128xi32, #tpu.memory_space<vmem>>, vector<16xi32>,
    tpu.vector_store %arg6[%swap3A_299, %swap3A_300], %add3A_297 {strides = array<i32>} : memref<5x128xi32, #tpu.memory_space<vmem>>, vector<16xi32>,
    %iota3A_302 = tpu.iota {dimensions = array<i32: 0>} : vector<16xi32>
    %add3A_303 = arith.constant 592 : i32
    %add3A_304 = vector.broadcast %add3A_303 : i32 to vector<16xi32>
    %add3A_305 = arith.addi %iota3A_302, %add3A_304 : vector<16xi32>
    %swap3A_306 = arith.constant 4 : i32
    %swap3A_307 = arith.index_cast %swap3A_306 : i32 to index
    %swap3A_308 = arith.constant 80 : index
    %swap3A_309 = tpu.vector_load %arg6[%swap3A_307, %swap3A_308] {strides = array<i32>} : memref<5x128xi32, #tpu.memory_space<vmem>>, vector<16xi32>,
    tpu.vector_store %arg6[%swap3A_307, %swap3A_308], %add3A_305 {strides = array<i32>} : memref<5x128xi32, #tpu.memory_space<vmem>>, vector<16xi32>,
    %iota3A_310 = tpu.iota {dimensions = array<i32: 0>} : vector<16xi32>
    %add3A_311 = arith.constant 608 : i32
    %add3A_312 = vector.broadcast %add3A_311 : i32 to vector<16xi32>
    %add3A_313 = arith.addi %iota3A_310, %add3A_312 : vector<16xi32>
    %swap3A_314 = arith.constant 4 : i32
    %swap3A_315 = arith.index_cast %swap3A_314 : i32 to index
    %swap3A_316 = arith.constant 96 : index
    %swap3A_317 = tpu.vector_load %arg6[%swap3A_315, %swap3A_316] {strides = array<i32>} : memref<5x128xi32, #tpu.memory_space<vmem>>, vector<16xi32>,
    tpu.vector_store %arg6[%swap3A_315, %swap3A_316], %add3A_313 {strides = array<i32>} : memref<5x128xi32, #tpu.memory_space<vmem>>, vector<16xi32>,
    %iota3A_318 = tpu.iota {dimensions = array<i32: 0>} : vector<16xi32>
    %add3A_319 = arith.constant 624 : i32
    %add3A_320 = vector.broadcast %add3A_319 : i32 to vector<16xi32>
    %add3A_321 = arith.addi %iota3A_318, %add3A_320 : vector<16xi32>
    %swap3A_322 = arith.constant 4 : i32
    %swap3A_323 = arith.index_cast %swap3A_322 : i32 to index
    %swap3A_324 = arith.constant 112 : index
    %swap3A_325 = tpu.vector_load %arg6[%swap3A_323, %swap3A_324] {strides = array<i32>} : memref<5x128xi32, #tpu.memory_space<vmem>>, vector<16xi32>,
    tpu.vector_store %arg6[%swap3A_323, %swap3A_324], %add3A_321 {strides = array<i32>} : memref<5x128xi32, #tpu.memory_space<vmem>>, vector<16xi32>,
    %run_scoped3A = arith.constant 1 : i32
    "tpu.region"() ({
      %run_scoped3A_356 = tpu.sem_alloc : memref<!tpu.dma_semaphore, #tpu.memory_space<semaphore_mem>>
      %dma_start3A = arith.constant 0 : i32
      %dma_start3A_357 = tpu.memref_slice %arg2[%run_scoped3A, %add3A, %dma_start3A] : memref<2x32x10000xi32, #tpu.memory_space<hbm>> -> memref<1x1x10000xi32, #tpu.memory_space<hbm>>
      %dma_start3A_358 = tpu.memref_squeeze %dma_start3A_357 : memref<1x1x10000xi32, #tpu.memory_space<hbm>> -> memref<10000xi32, #tpu.memory_space<hbm>>
      %dma_start3A_359 = arith.constant 0 : i32
      %dma_start3A_360 = tpu.memref_slice %arg2[%run_scoped3A, %add3A, %dma_start3A_359] : memref<2x32x10000xi32, #tpu.memory_space<hbm>> -> memref<1x1x10000xi32, #tpu.memory_space<hbm>>
      %dma_start3A_361 = tpu.memref_squeeze %dma_start3A_360 : memref<1x1x10000xi32, #tpu.memory_space<hbm>> -> memref<10000xi32, #tpu.memory_space<hbm>>
      tpu.enqueue_dma source(%dma_start3A_361 : memref<10000xi32, #tpu.memory_space<hbm>>) target(%arg4 : memref<10000xi32, #tpu.memory_space<vmem>>) target_semaphore(%run_scoped3A_356 : memref<!tpu.dma_semaphore, #tpu.memory_space<semaphore_mem>>)
      %dma_wait3A = arith.constant 0 : i32
      %dma_wait3A_362 = tpu.memref_slice %arg2[%run_scoped3A, %add3A, %dma_wait3A] : memref<2x32x10000xi32, #tpu.memory_space<hbm>> -> memref<1x1x10000xi32, #tpu.memory_space<hbm>>
      %dma_wait3A_363 = tpu.memref_squeeze %dma_wait3A_362 : memref<1x1x10000xi32, #tpu.memory_space<hbm>> -> memref<10000xi32, #tpu.memory_space<hbm>>
      %dma_wait3A_364 = arith.constant 0 : i32
      %dma_wait3A_365 = tpu.memref_slice %arg2[%run_scoped3A, %add3A, %dma_wait3A_364] : memref<2x32x10000xi32, #tpu.memory_space<hbm>> -> memref<1x1x10000xi32, #tpu.memory_space<hbm>>
      %dma_wait3A_366 = tpu.memref_squeeze %dma_wait3A_365 : memref<1x1x10000xi32, #tpu.memory_space<hbm>> -> memref<10000xi32, #tpu.memory_space<hbm>>
      tpu.wait_dma2 semaphore(%run_scoped3A_356 : memref<!tpu.dma_semaphore, #tpu.memory_space<semaphore_mem>>) src(%dma_wait3A_366 : memref<10000xi32, #tpu.memory_space<hbm>>) dst(%arg4 : memref<10000xi32, #tpu.memory_space<vmem>>)
      tpu.yield
    }) : () -> ()
    %scan3A_326 = arith.constant 0 : i32
    %scan3A_327 = arith.constant 624 : i32
    %scan3A_328 = arith.addi %scan3A_326, %scan3A_327 : i32
    %scan3A_329 = arith.constant 4 : i32
    scf.for %scan3A_356 = %scan3A_326 to %scan3A_328 step %scan3A_329  : i32 {
      %mul3A_357 = arith.constant 1 : i32
      %mul3A_358 = arith.muli %scan3A_356, %mul3A_357 : i32
      %add3A_359 = arith.constant 0 : i32
      %add3A_360 = arith.addi %add3A_359, %mul3A_358 : i32
      %mul3A_361 = arith.constant 16 : i32
      %mul3A_362 = arith.muli %add3A_360, %mul3A_361 : i32
      %get3A_363 = arith.index_cast %mul3A_362 : i32 to index
      %get3A_364 = tpu.vector_load %arg4[%get3A_363] {strides = array<i32>} : memref<10000xi32, #tpu.memory_space<vmem>>, vector<16xi32>,
      %broadcast_in_dim3A_365 = arith.constant true
      %broadcast_in_dim3A_366 = vector.broadcast %broadcast_in_dim3A_365 : i1 to vector<16xi1>
      %unique3A_367, %unique3A_368 = tpu.scan_count mask(%broadcast_in_dim3A_366 : vector<16xi1>) value(%get3A_364 : vector<16xi32>) : vector<16xi1>, vector<16xi32>
      %div3A_369 = arith.constant 16 : i32
      %div3A_370 = vector.broadcast %div3A_369 : i32 to vector<16xi32>
      %div3A_371 = arith.divsi %get3A_364, %div3A_370 : vector<16xi32>
      %rem3A_372 = arith.constant 16 : i32
      %rem3A_373 = vector.broadcast %rem3A_372 : i32 to vector<16xi32>
      %rem3A_374 = arith.remsi %get3A_364, %rem3A_373 : vector<16xi32>
      %convert_element_type3A_375 = arith.sitofp %unique3A_368 : vector<16xi32> to vector<16xf32>
      tpu.vector_store_idx %arg5[%div3A_371, %rem3A_374], %convert_element_type3A_375 masked %unique3A_367 {add = true} : memref<640x16xf32, #tpu.memory_space<vmem>>[vector<16xi32>, vector<16xi32>], vector<16xf32>, vector<16xi1>
      %scan3A_376 = arith.constant 1 : i32
      %scan3A_377 = arith.addi %scan3A_356, %scan3A_376 : i32
      %mul3A_378 = arith.constant 1 : i32
      %mul3A_379 = arith.muli %scan3A_377, %mul3A_378 : i32
      %add3A_380 = arith.constant 0 : i32
      %add3A_381 = arith.addi %add3A_380, %mul3A_379 : i32
      %mul3A_382 = arith.constant 16 : i32
      %mul3A_383 = arith.muli %add3A_381, %mul3A_382 : i32
      %get3A_384 = arith.index_cast %mul3A_383 : i32 to index
      %get3A_385 = tpu.vector_load %arg4[%get3A_384] {strides = array<i32>} : memref<10000xi32, #tpu.memory_space<vmem>>, vector<16xi32>,
      %broadcast_in_dim3A_386 = arith.constant true
      %broadcast_in_dim3A_387 = vector.broadcast %broadcast_in_dim3A_386 : i1 to vector<16xi1>
      %unique3A_388, %unique3A_389 = tpu.scan_count mask(%broadcast_in_dim3A_387 : vector<16xi1>) value(%get3A_385 : vector<16xi32>) : vector<16xi1>, vector<16xi32>
      %div3A_390 = arith.constant 16 : i32
      %div3A_391 = vector.broadcast %div3A_390 : i32 to vector<16xi32>
      %div3A_392 = arith.divsi %get3A_385, %div3A_391 : vector<16xi32>
      %rem3A_393 = arith.constant 16 : i32
      %rem3A_394 = vector.broadcast %rem3A_393 : i32 to vector<16xi32>
      %rem3A_395 = arith.remsi %get3A_385, %rem3A_394 : vector<16xi32>
      %convert_element_type3A_396 = arith.sitofp %unique3A_389 : vector<16xi32> to vector<16xf32>
      tpu.vector_store_idx %arg5[%div3A_392, %rem3A_395], %convert_element_type3A_396 masked %unique3A_388 {add = true} : memref<640x16xf32, #tpu.memory_space<vmem>>[vector<16xi32>, vector<16xi32>], vector<16xf32>, vector<16xi1>
      %scan3A_397 = arith.constant 2 : i32
      %scan3A_398 = arith.addi %scan3A_356, %scan3A_397 : i32
      %mul3A_399 = arith.constant 1 : i32
      %mul3A_400 = arith.muli %scan3A_398, %mul3A_399 : i32
      %add3A_401 = arith.constant 0 : i32
      %add3A_402 = arith.addi %add3A_401, %mul3A_400 : i32
      %mul3A_403 = arith.constant 16 : i32
      %mul3A_404 = arith.muli %add3A_402, %mul3A_403 : i32
      %get3A_405 = arith.index_cast %mul3A_404 : i32 to index
      %get3A_406 = tpu.vector_load %arg4[%get3A_405] {strides = array<i32>} : memref<10000xi32, #tpu.memory_space<vmem>>, vector<16xi32>,
      %broadcast_in_dim3A_407 = arith.constant true
      %broadcast_in_dim3A_408 = vector.broadcast %broadcast_in_dim3A_407 : i1 to vector<16xi1>
      %unique3A_409, %unique3A_410 = tpu.scan_count mask(%broadcast_in_dim3A_408 : vector<16xi1>) value(%get3A_406 : vector<16xi32>) : vector<16xi1>, vector<16xi32>
      %div3A_411 = arith.constant 16 : i32
      %div3A_412 = vector.broadcast %div3A_411 : i32 to vector<16xi32>
      %div3A_413 = arith.divsi %get3A_406, %div3A_412 : vector<16xi32>
      %rem3A_414 = arith.constant 16 : i32
      %rem3A_415 = vector.broadcast %rem3A_414 : i32 to vector<16xi32>
      %rem3A_416 = arith.remsi %get3A_406, %rem3A_415 : vector<16xi32>
      %convert_element_type3A_417 = arith.sitofp %unique3A_410 : vector<16xi32> to vector<16xf32>
      tpu.vector_store_idx %arg5[%div3A_413, %rem3A_416], %convert_element_type3A_417 masked %unique3A_409 {add = true} : memref<640x16xf32, #tpu.memory_space<vmem>>[vector<16xi32>, vector<16xi32>], vector<16xf32>, vector<16xi1>
      %scan3A_418 = arith.constant 3 : i32
      %scan3A_419 = arith.addi %scan3A_356, %scan3A_418 : i32
      %mul3A_420 = arith.constant 1 : i32
      %mul3A_421 = arith.muli %scan3A_419, %mul3A_420 : i32
      %add3A_422 = arith.constant 0 : i32
      %add3A_423 = arith.addi %add3A_422, %mul3A_421 : i32
      %mul3A_424 = arith.constant 16 : i32
      %mul3A_425 = arith.muli %add3A_423, %mul3A_424 : i32
      %get3A_426 = arith.index_cast %mul3A_425 : i32 to index
      %get3A_427 = tpu.vector_load %arg4[%get3A_426] {strides = array<i32>} : memref<10000xi32, #tpu.memory_space<vmem>>, vector<16xi32>,
      %broadcast_in_dim3A_428 = arith.constant true
      %broadcast_in_dim3A_429 = vector.broadcast %broadcast_in_dim3A_428 : i1 to vector<16xi1>
      %unique3A_430, %unique3A_431 = tpu.scan_count mask(%broadcast_in_dim3A_429 : vector<16xi1>) value(%get3A_427 : vector<16xi32>) : vector<16xi1>, vector<16xi32>
      %div3A_432 = arith.constant 16 : i32
      %div3A_433 = vector.broadcast %div3A_432 : i32 to vector<16xi32>
      %div3A_434 = arith.divsi %get3A_427, %div3A_433 : vector<16xi32>
      %rem3A_435 = arith.constant 16 : i32
      %rem3A_436 = vector.broadcast %rem3A_435 : i32 to vector<16xi32>
      %rem3A_437 = arith.remsi %get3A_427, %rem3A_436 : vector<16xi32>
      %convert_element_type3A_438 = arith.sitofp %unique3A_431 : vector<16xi32> to vector<16xf32>
      tpu.vector_store_idx %arg5[%div3A_434, %rem3A_437], %convert_element_type3A_438 masked %unique3A_430 {add = true} : memref<640x16xf32, #tpu.memory_space<vmem>>[vector<16xi32>, vector<16xi32>], vector<16xf32>, vector<16xi1>
    }
    %scan3A_330 = arith.constant 624 : i32
    %scan3A_331 = arith.addi %scan3A_326, %scan3A_330 : i32
    %mul3A_332 = arith.constant 1 : i32
    %mul3A_333 = arith.muli %scan3A_331, %mul3A_332 : i32
    %add3A_334 = arith.constant 0 : i32
    %add3A_335 = arith.addi %add3A_334, %mul3A_333 : i32
    %mul3A_336 = arith.constant 16 : i32
    %mul3A_337 = arith.muli %add3A_335, %mul3A_336 : i32
    %get3A = arith.index_cast %mul3A_337 : i32 to index
    %get3A_338 = tpu.vector_load %arg4[%get3A] {strides = array<i32>} : memref<10000xi32, #tpu.memory_space<vmem>>, vector<16xi32>,
    %broadcast_in_dim3A_339 = arith.constant true
    %broadcast_in_dim3A_340 = vector.broadcast %broadcast_in_dim3A_339 : i1 to vector<16xi1>
    %unique3A, %unique3A_341 = tpu.scan_count mask(%broadcast_in_dim3A_340 : vector<16xi1>) value(%get3A_338 : vector<16xi32>) : vector<16xi1>, vector<16xi32>
    %div3A = arith.constant 16 : i32
    %div3A_342 = vector.broadcast %div3A : i32 to vector<16xi32>
    %div3A_343 = arith.divsi %get3A_338, %div3A_342 : vector<16xi32>
    %rem3A = arith.constant 16 : i32
    %rem3A_344 = vector.broadcast %rem3A : i32 to vector<16xi32>
    %rem3A_345 = arith.remsi %get3A_338, %rem3A_344 : vector<16xi32>
    %convert_element_type3A = arith.sitofp %unique3A_341 : vector<16xi32> to vector<16xf32>
    tpu.vector_store_idx %arg5[%div3A_343, %rem3A_345], %convert_element_type3A masked %unique3A {add = true} : memref<640x16xf32, #tpu.memory_space<vmem>>[vector<16xi32>, vector<16xi32>], vector<16xf32>, vector<16xi1>
    %scan3A_346 = arith.constant 625 : i32
    %barrier3A = arith.constant 0 : index
    tpu.barrier barrier_id(%barrier3A)
    %run_scoped3A_347 = arith.constant 0 : i32
    "tpu.region"() ({
      %run_scoped3A_356 = tpu.sem_alloc : memref<!tpu.dma_semaphore, #tpu.memory_space<semaphore_mem>>
      %dma_start3A = arith.constant 0 : i32
      %dma_start3A_357 = arith.constant 0 : i32
      %dma_start3A_358 = tpu.memref_slice %arg5[%dma_start3A, %dma_start3A_357] : memref<640x16xf32, #tpu.memory_space<vmem>> -> memref<128x16xf32, #tpu.memory_space<vmem>>
      %dma_start3A_359 = arith.constant 0 : i32
      %dma_start3A_360 = tpu.memref_slice %arg6[%run_scoped3A_347, %dma_start3A_359] : memref<5x128xi32, #tpu.memory_space<vmem>> -> memref<1x128xi32, #tpu.memory_space<vmem>>
      %dma_start3A_361 = tpu.memref_squeeze %dma_start3A_360 : memref<1x128xi32, #tpu.memory_space<vmem>> -> memref<128xi32, #tpu.memory_space<vmem>>
      %dma_start3A_362 = arith.constant 0 : i32
      %dma_start3A_363 = arith.constant 0 : i32
      %dma_start3A_364 = tpu.memref_slice %arg7[%dma_start3A_362, %dma_start3A_363] : memref<640x16xf32, #tpu.memory_space<vmem_shared>> -> memref<640x16xf32, #tpu.memory_space<vmem_shared>>
      tpu.enqueue_indirect_dma source(%dma_start3A_358 : memref<128x16xf32, #tpu.memory_space<vmem>>) target(%dma_start3A_364 : memref<640x16xf32, #tpu.memory_space<vmem_shared>>) offsets(%dma_start3A_361 : memref<128xi32, #tpu.memory_space<vmem>>) semaphore(%run_scoped3A_356 : memref<!tpu.dma_semaphore, #tpu.memory_space<semaphore_mem>>) {add = true}
      %dma_wait3A = arith.constant 0 : i32
      %dma_wait3A_365 = arith.constant 0 : i32
      %dma_wait3A_366 = tpu.memref_slice %arg5[%dma_wait3A, %dma_wait3A_365] : memref<640x16xf32, #tpu.memory_space<vmem>> -> memref<128x16xf32, #tpu.memory_space<vmem>>
      %dma_wait3A_367 = arith.constant 0 : i32
      %dma_wait3A_368 = tpu.memref_slice %arg6[%run_scoped3A_347, %dma_wait3A_367] : memref<5x128xi32, #tpu.memory_space<vmem>> -> memref<1x128xi32, #tpu.memory_space<vmem>>
      %dma_wait3A_369 = tpu.memref_squeeze %dma_wait3A_368 : memref<1x128xi32, #tpu.memory_space<vmem>> -> memref<128xi32, #tpu.memory_space<vmem>>
      %dma_wait3A_370 = arith.constant 0 : i32
      %dma_wait3A_371 = arith.constant 0 : i32
      %dma_wait3A_372 = tpu.memref_slice %arg7[%dma_wait3A_370, %dma_wait3A_371] : memref<640x16xf32, #tpu.memory_space<vmem_shared>> -> memref<640x16xf32, #tpu.memory_space<vmem_shared>>
      tpu.wait_indirect_dma semaphore(%run_scoped3A_356 : memref<!tpu.dma_semaphore, #tpu.memory_space<semaphore_mem>>) src(%dma_wait3A_366 : memref<128x16xf32, #tpu.memory_space<vmem>>) dst(%dma_wait3A_372 : memref<640x16xf32, #tpu.memory_space<vmem_shared>>)
      tpu.yield
    }) : () -> ()
    %run_scoped3A_348 = arith.constant 1 : i32
    "tpu.region"() ({
      %run_scoped3A_356 = tpu.sem_alloc : memref<!tpu.dma_semaphore, #tpu.memory_space<semaphore_mem>>
      %dma_start3A = arith.constant 128 : i32
      %dma_start3A_357 = arith.constant 0 : i32
      %dma_start3A_358 = tpu.memref_slice %arg5[%dma_start3A, %dma_start3A_357] : memref<640x16xf32, #tpu.memory_space<vmem>> -> memref<128x16xf32, #tpu.memory_space<vmem>>
      %dma_start3A_359 = arith.constant 0 : i32
      %dma_start3A_360 = tpu.memref_slice %arg6[%run_scoped3A_348, %dma_start3A_359] : memref<5x128xi32, #tpu.memory_space<vmem>> -> memref<1x128xi32, #tpu.memory_space<vmem>>
      %dma_start3A_361 = tpu.memref_squeeze %dma_start3A_360 : memref<1x128xi32, #tpu.memory_space<vmem>> -> memref<128xi32, #tpu.memory_space<vmem>>
      %dma_start3A_362 = arith.constant 0 : i32
      %dma_start3A_363 = arith.constant 0 : i32
      %dma_start3A_364 = tpu.memref_slice %arg7[%dma_start3A_362, %dma_start3A_363] : memref<640x16xf32, #tpu.memory_space<vmem_shared>> -> memref<640x16xf32, #tpu.memory_space<vmem_shared>>
      tpu.enqueue_indirect_dma source(%dma_start3A_358 : memref<128x16xf32, #tpu.memory_space<vmem>>) target(%dma_start3A_364 : memref<640x16xf32, #tpu.memory_space<vmem_shared>>) offsets(%dma_start3A_361 : memref<128xi32, #tpu.memory_space<vmem>>) semaphore(%run_scoped3A_356 : memref<!tpu.dma_semaphore, #tpu.memory_space<semaphore_mem>>) {add = true}
      %dma_wait3A = arith.constant 128 : i32
      %dma_wait3A_365 = arith.constant 0 : i32
      %dma_wait3A_366 = tpu.memref_slice %arg5[%dma_wait3A, %dma_wait3A_365] : memref<640x16xf32, #tpu.memory_space<vmem>> -> memref<128x16xf32, #tpu.memory_space<vmem>>
      %dma_wait3A_367 = arith.constant 0 : i32
      %dma_wait3A_368 = tpu.memref_slice %arg6[%run_scoped3A_348, %dma_wait3A_367] : memref<5x128xi32, #tpu.memory_space<vmem>> -> memref<1x128xi32, #tpu.memory_space<vmem>>
      %dma_wait3A_369 = tpu.memref_squeeze %dma_wait3A_368 : memref<1x128xi32, #tpu.memory_space<vmem>> -> memref<128xi32, #tpu.memory_space<vmem>>
      %dma_wait3A_370 = arith.constant 0 : i32
      %dma_wait3A_371 = arith.constant 0 : i32
      %dma_wait3A_372 = tpu.memref_slice %arg7[%dma_wait3A_370, %dma_wait3A_371] : memref<640x16xf32, #tpu.memory_space<vmem_shared>> -> memref<640x16xf32, #tpu.memory_space<vmem_shared>>
      tpu.wait_indirect_dma semaphore(%run_scoped3A_356 : memref<!tpu.dma_semaphore, #tpu.memory_space<semaphore_mem>>) src(%dma_wait3A_366 : memref<128x16xf32, #tpu.memory_space<vmem>>) dst(%dma_wait3A_372 : memref<640x16xf32, #tpu.memory_space<vmem_shared>>)
      tpu.yield
    }) : () -> ()
    %run_scoped3A_349 = arith.constant 2 : i32
    "tpu.region"() ({
      %run_scoped3A_356 = tpu.sem_alloc : memref<!tpu.dma_semaphore, #tpu.memory_space<semaphore_mem>>
      %dma_start3A = arith.constant 256 : i32
      %dma_start3A_357 = arith.constant 0 : i32
      %dma_start3A_358 = tpu.memref_slice %arg5[%dma_start3A, %dma_start3A_357] : memref<640x16xf32, #tpu.memory_space<vmem>> -> memref<128x16xf32, #tpu.memory_space<vmem>>
      %dma_start3A_359 = arith.constant 0 : i32
      %dma_start3A_360 = tpu.memref_slice %arg6[%run_scoped3A_349, %dma_start3A_359] : memref<5x128xi32, #tpu.memory_space<vmem>> -> memref<1x128xi32, #tpu.memory_space<vmem>>
      %dma_start3A_361 = tpu.memref_squeeze %dma_start3A_360 : memref<1x128xi32, #tpu.memory_space<vmem>> -> memref<128xi32, #tpu.memory_space<vmem>>
      %dma_start3A_362 = arith.constant 0 : i32
      %dma_start3A_363 = arith.constant 0 : i32
      %dma_start3A_364 = tpu.memref_slice %arg7[%dma_start3A_362, %dma_start3A_363] : memref<640x16xf32, #tpu.memory_space<vmem_shared>> -> memref<640x16xf32, #tpu.memory_space<vmem_shared>>
      tpu.enqueue_indirect_dma source(%dma_start3A_358 : memref<128x16xf32, #tpu.memory_space<vmem>>) target(%dma_start3A_364 : memref<640x16xf32, #tpu.memory_space<vmem_shared>>) offsets(%dma_start3A_361 : memref<128xi32, #tpu.memory_space<vmem>>) semaphore(%run_scoped3A_356 : memref<!tpu.dma_semaphore, #tpu.memory_space<semaphore_mem>>) {add = true}
      %dma_wait3A = arith.constant 256 : i32
      %dma_wait3A_365 = arith.constant 0 : i32
      %dma_wait3A_366 = tpu.memref_slice %arg5[%dma_wait3A, %dma_wait3A_365] : memref<640x16xf32, #tpu.memory_space<vmem>> -> memref<128x16xf32, #tpu.memory_space<vmem>>
      %dma_wait3A_367 = arith.constant 0 : i32
      %dma_wait3A_368 = tpu.memref_slice %arg6[%run_scoped3A_349, %dma_wait3A_367] : memref<5x128xi32, #tpu.memory_space<vmem>> -> memref<1x128xi32, #tpu.memory_space<vmem>>
      %dma_wait3A_369 = tpu.memref_squeeze %dma_wait3A_368 : memref<1x128xi32, #tpu.memory_space<vmem>> -> memref<128xi32, #tpu.memory_space<vmem>>
      %dma_wait3A_370 = arith.constant 0 : i32
      %dma_wait3A_371 = arith.constant 0 : i32
      %dma_wait3A_372 = tpu.memref_slice %arg7[%dma_wait3A_370, %dma_wait3A_371] : memref<640x16xf32, #tpu.memory_space<vmem_shared>> -> memref<640x16xf32, #tpu.memory_space<vmem_shared>>
      tpu.wait_indirect_dma semaphore(%run_scoped3A_356 : memref<!tpu.dma_semaphore, #tpu.memory_space<semaphore_mem>>) src(%dma_wait3A_366 : memref<128x16xf32, #tpu.memory_space<vmem>>) dst(%dma_wait3A_372 : memref<640x16xf32, #tpu.memory_space<vmem_shared>>)
      tpu.yield
    }) : () -> ()
    %run_scoped3A_350 = arith.constant 3 : i32
    "tpu.region"() ({
      %run_scoped3A_356 = tpu.sem_alloc : memref<!tpu.dma_semaphore, #tpu.memory_space<semaphore_mem>>
      %dma_start3A = arith.constant 384 : i32
      %dma_start3A_357 = arith.constant 0 : i32
      %dma_start3A_358 = tpu.memref_slice %arg5[%dma_start3A, %dma_start3A_357] : memref<640x16xf32, #tpu.memory_space<vmem>> -> memref<128x16xf32, #tpu.memory_space<vmem>>
      %dma_start3A_359 = arith.constant 0 : i32
      %dma_start3A_360 = tpu.memref_slice %arg6[%run_scoped3A_350, %dma_start3A_359] : memref<5x128xi32, #tpu.memory_space<vmem>> -> memref<1x128xi32, #tpu.memory_space<vmem>>
      %dma_start3A_361 = tpu.memref_squeeze %dma_start3A_360 : memref<1x128xi32, #tpu.memory_space<vmem>> -> memref<128xi32, #tpu.memory_space<vmem>>
      %dma_start3A_362 = arith.constant 0 : i32
      %dma_start3A_363 = arith.constant 0 : i32
      %dma_start3A_364 = tpu.memref_slice %arg7[%dma_start3A_362, %dma_start3A_363] : memref<640x16xf32, #tpu.memory_space<vmem_shared>> -> memref<640x16xf32, #tpu.memory_space<vmem_shared>>
      tpu.enqueue_indirect_dma source(%dma_start3A_358 : memref<128x16xf32, #tpu.memory_space<vmem>>) target(%dma_start3A_364 : memref<640x16xf32, #tpu.memory_space<vmem_shared>>) offsets(%dma_start3A_361 : memref<128xi32, #tpu.memory_space<vmem>>) semaphore(%run_scoped3A_356 : memref<!tpu.dma_semaphore, #tpu.memory_space<semaphore_mem>>) {add = true}
      %dma_wait3A = arith.constant 384 : i32
      %dma_wait3A_365 = arith.constant 0 : i32
      %dma_wait3A_366 = tpu.memref_slice %arg5[%dma_wait3A, %dma_wait3A_365] : memref<640x16xf32, #tpu.memory_space<vmem>> -> memref<128x16xf32, #tpu.memory_space<vmem>>
      %dma_wait3A_367 = arith.constant 0 : i32
      %dma_wait3A_368 = tpu.memref_slice %arg6[%run_scoped3A_350, %dma_wait3A_367] : memref<5x128xi32, #tpu.memory_space<vmem>> -> memref<1x128xi32, #tpu.memory_space<vmem>>
      %dma_wait3A_369 = tpu.memref_squeeze %dma_wait3A_368 : memref<1x128xi32, #tpu.memory_space<vmem>> -> memref<128xi32, #tpu.memory_space<vmem>>
      %dma_wait3A_370 = arith.constant 0 : i32
      %dma_wait3A_371 = arith.constant 0 : i32
      %dma_wait3A_372 = tpu.memref_slice %arg7[%dma_wait3A_370, %dma_wait3A_371] : memref<640x16xf32, #tpu.memory_space<vmem_shared>> -> memref<640x16xf32, #tpu.memory_space<vmem_shared>>
      tpu.wait_indirect_dma semaphore(%run_scoped3A_356 : memref<!tpu.dma_semaphore, #tpu.memory_space<semaphore_mem>>) src(%dma_wait3A_366 : memref<128x16xf32, #tpu.memory_space<vmem>>) dst(%dma_wait3A_372 : memref<640x16xf32, #tpu.memory_space<vmem_shared>>)
      tpu.yield
    }) : () -> ()
    %run_scoped3A_351 = arith.constant 4 : i32
    "tpu.region"() ({
      %run_scoped3A_356 = tpu.sem_alloc : memref<!tpu.dma_semaphore, #tpu.memory_space<semaphore_mem>>
      %dma_start3A = arith.constant 512 : i32
      %dma_start3A_357 = arith.constant 0 : i32
      %dma_start3A_358 = tpu.memref_slice %arg5[%dma_start3A, %dma_start3A_357] : memref<640x16xf32, #tpu.memory_space<vmem>> -> memref<128x16xf32, #tpu.memory_space<vmem>>
      %dma_start3A_359 = arith.constant 0 : i32
      %dma_start3A_360 = tpu.memref_slice %arg6[%run_scoped3A_351, %dma_start3A_359] : memref<5x128xi32, #tpu.memory_space<vmem>> -> memref<1x128xi32, #tpu.memory_space<vmem>>
      %dma_start3A_361 = tpu.memref_squeeze %dma_start3A_360 : memref<1x128xi32, #tpu.memory_space<vmem>> -> memref<128xi32, #tpu.memory_space<vmem>>
      %dma_start3A_362 = arith.constant 0 : i32
      %dma_start3A_363 = arith.constant 0 : i32
      %dma_start3A_364 = tpu.memref_slice %arg7[%dma_start3A_362, %dma_start3A_363] : memref<640x16xf32, #tpu.memory_space<vmem_shared>> -> memref<640x16xf32, #tpu.memory_space<vmem_shared>>
      tpu.enqueue_indirect_dma source(%dma_start3A_358 : memref<128x16xf32, #tpu.memory_space<vmem>>) target(%dma_start3A_364 : memref<640x16xf32, #tpu.memory_space<vmem_shared>>) offsets(%dma_start3A_361 : memref<128xi32, #tpu.memory_space<vmem>>) semaphore(%run_scoped3A_356 : memref<!tpu.dma_semaphore, #tpu.memory_space<semaphore_mem>>) {add = true}
      %dma_wait3A = arith.constant 512 : i32
      %dma_wait3A_365 = arith.constant 0 : i32
      %dma_wait3A_366 = tpu.memref_slice %arg5[%dma_wait3A, %dma_wait3A_365] : memref<640x16xf32, #tpu.memory_space<vmem>> -> memref<128x16xf32, #tpu.memory_space<vmem>>
      %dma_wait3A_367 = arith.constant 0 : i32
      %dma_wait3A_368 = tpu.memref_slice %arg6[%run_scoped3A_351, %dma_wait3A_367] : memref<5x128xi32, #tpu.memory_space<vmem>> -> memref<1x128xi32, #tpu.memory_space<vmem>>
      %dma_wait3A_369 = tpu.memref_squeeze %dma_wait3A_368 : memref<1x128xi32, #tpu.memory_space<vmem>> -> memref<128xi32, #tpu.memory_space<vmem>>
      %dma_wait3A_370 = arith.constant 0 : i32
      %dma_wait3A_371 = arith.constant 0 : i32
      %dma_wait3A_372 = tpu.memref_slice %arg7[%dma_wait3A_370, %dma_wait3A_371] : memref<640x16xf32, #tpu.memory_space<vmem_shared>> -> memref<640x16xf32, #tpu.memory_space<vmem_shared>>
      tpu.wait_indirect_dma semaphore(%run_scoped3A_356 : memref<!tpu.dma_semaphore, #tpu.memory_space<semaphore_mem>>) src(%dma_wait3A_366 : memref<128x16xf32, #tpu.memory_space<vmem>>) dst(%dma_wait3A_372 : memref<640x16xf32, #tpu.memory_space<vmem_shared>>)
      tpu.yield
    }) : () -> ()
    %barrier3A_352 = arith.constant 0 : index
    tpu.barrier barrier_id(%barrier3A_352)
    %mul3A_353 = arith.constant 40 : i32
    %mul3A_354 = arith.muli %arg1, %mul3A_353 : i32
    %min3A = arith.constant 585 : i32
    %min3A_355 = arith.minsi %mul3A_354, %min3A : i32
    "tpu.region"() ({
      %run_scoped3A_356 = tpu.sem_alloc : memref<!tpu.dma_semaphore, #tpu.memory_space<semaphore_mem>>
      %dma_start3A = arith.constant 0 : i32
      %dma_start3A_357 = tpu.memref_slice %arg3[%arg0, %min3A_355, %dma_start3A] : memref<2x625x16xf32, #tpu.memory_space<hbm>> -> memref<1x40x16xf32, #tpu.memory_space<hbm>>
      %dma_start3A_358 = tpu.memref_squeeze %dma_start3A_357 : memref<1x40x16xf32, #tpu.memory_space<hbm>> -> memref<40x16xf32, #tpu.memory_space<hbm>>
      %dma_start3A_359 = arith.constant 0 : i32
      %dma_start3A_360 = tpu.memref_slice %arg7[%min3A_355, %dma_start3A_359] : memref<640x16xf32, #tpu.memory_space<vmem_shared>> -> memref<40x16xf32, #tpu.memory_space<vmem_shared>>
      tpu.enqueue_dma source(%dma_start3A_360 : memref<40x16xf32, #tpu.memory_space<vmem_shared>>) target(%dma_start3A_358 : memref<40x16xf32, #tpu.memory_space<hbm>>) target_semaphore(%run_scoped3A_356 : memref<!tpu.dma_semaphore, #tpu.memory_space<semaphore_mem>>)
      %dma_wait3A = arith.constant 0 : i32
      %dma_wait3A_361 = tpu.memref_slice %arg3[%arg0, %min3A_355, %dma_wait3A] : memref<2x625x16xf32, #tpu.memory_space<hbm>> -> memref<1x40x16xf32, #tpu.memory_space<hbm>>
      %dma_wait3A_362 = tpu.memref_squeeze %dma_wait3A_361 : memref<1x40x16xf32, #tpu.memory_space<hbm>> -> memref<40x16xf32, #tpu.memory_space<hbm>>
      %dma_wait3A_363 = arith.constant 0 : i32
      %dma_wait3A_364 = tpu.memref_slice %arg7[%min3A_355, %dma_wait3A_363] : memref<640x16xf32, #tpu.memory_space<vmem_shared>> -> memref<40x16xf32, #tpu.memory_space<vmem_shared>>
      tpu.wait_dma2 semaphore(%run_scoped3A_356 : memref<!tpu.dma_semaphore, #tpu.memory_space<semaphore_mem>>) src(%dma_wait3A_364 : memref<40x16xf32, #tpu.memory_space<vmem_shared>>) dst(%dma_wait3A_362 : memref<40x16xf32, #tpu.memory_space<hbm>>)
      tpu.yield
    }) : () -> ()
    return
  }
}

#map = affine_map<(d0, d1) -> (0, 0)>
#map1 = affine_map<(d0, d1) -> (0, 0, 0, 0)>
#map2 = affine_map<(d0, d1) -> (0, 0, 0)>
module attributes {stable_mosaic.version = 14 : i64} {
  func.func @_sc_agg(%arg0: i32, %arg1: i32, %arg2: memref<10000x128xf32, #tpu.memory_space<hbm>>, %arg3: memref<2x32x80x125xi32, #tpu.memory_space<hbm>>, %arg4: memref<2x10000x128xf32, #tpu.memory_space<hbm>>, %arg5: memref<40x125xi32, #tpu.memory_space<vmem>>, %arg6: memref<40x125xi32, #tpu.memory_space<vmem>>, %arg7: memref<125x128xf32, #tpu.memory_space<vmem>>, %arg8: memref<125x128xf32, #tpu.memory_space<vmem>>, %arg9: memref<10000x128xf32, #tpu.memory_space<vmem_shared>>, %arg10: memref<!tpu.dma_semaphore, #tpu.memory_space<semaphore_mem>>, %arg11: memref<!tpu.dma_semaphore, #tpu.memory_space<semaphore_mem>>, %arg12: memref<!tpu.dma_semaphore, #tpu.memory_space<semaphore_mem>>, %arg13: memref<!tpu.dma_semaphore, #tpu.memory_space<semaphore_mem>>) attributes {dimension_semantics = [#tpu.dimension_semantics<core_parallel>, #tpu.dimension_semantics<subcore_parallel>], iteration_bounds = array<i64: 2, 16>, scalar_prefetch = 0 : i64, scratch_operands = 9 : i64, tpu.core_type = #tpu.core_type<sc_vector_subcore>, window_params = [{transform_indices = #map}, {transform_indices = #map1}, {transform_indices = #map2}]} {
    %mul3A = arith.constant 16 : i32
    %mul3A_0 = arith.muli %arg0, %mul3A : i32
    %add3A = arith.addi %mul3A_0, %arg1 : i32
    %broadcast_in_dim3A = arith.constant 0.000000e+00 : f32
    %broadcast_in_dim3A_1 = vector.broadcast %broadcast_in_dim3A : f32 to vector<16xf32>
    %scan3A = arith.constant 0 : i32
    %scan3A_2 = arith.constant 125 : i32
    %scan3A_3 = arith.addi %scan3A, %scan3A_2 : i32
    %scan3A_4 = arith.constant 1 : i32
    scf.for %scan3A_71 = %scan3A to %scan3A_3 step %scan3A_4  : i32 {
      %mul3A_72 = arith.constant 1 : i32
      %mul3A_73 = arith.muli %scan3A_71, %mul3A_72 : i32
      %add3A_74 = arith.constant 0 : i32
      %add3A_75 = arith.addi %add3A_74, %mul3A_73 : i32
      %swap3A = arith.index_cast %add3A_75 : i32 to index
      %swap3A_76 = arith.constant 0 : index
      %swap3A_77 = tpu.vector_load %arg7[%swap3A, %swap3A_76] {strides = array<i32>} : memref<125x128xf32, #tpu.memory_space<vmem>>, vector<16xf32>,
      tpu.vector_store %arg7[%swap3A, %swap3A_76], %broadcast_in_dim3A_1 {strides = array<i32>} : memref<125x128xf32, #tpu.memory_space<vmem>>, vector<16xf32>,
      %swap3A_78 = arith.index_cast %add3A_75 : i32 to index
      %swap3A_79 = arith.constant 16 : index
      %swap3A_80 = tpu.vector_load %arg7[%swap3A_78, %swap3A_79] {strides = array<i32>} : memref<125x128xf32, #tpu.memory_space<vmem>>, vector<16xf32>,
      tpu.vector_store %arg7[%swap3A_78, %swap3A_79], %broadcast_in_dim3A_1 {strides = array<i32>} : memref<125x128xf32, #tpu.memory_space<vmem>>, vector<16xf32>,
      %swap3A_81 = arith.index_cast %add3A_75 : i32 to index
      %swap3A_82 = arith.constant 32 : index
      %swap3A_83 = tpu.vector_load %arg7[%swap3A_81, %swap3A_82] {strides = array<i32>} : memref<125x128xf32, #tpu.memory_space<vmem>>, vector<16xf32>,
      tpu.vector_store %arg7[%swap3A_81, %swap3A_82], %broadcast_in_dim3A_1 {strides = array<i32>} : memref<125x128xf32, #tpu.memory_space<vmem>>, vector<16xf32>,
      %swap3A_84 = arith.index_cast %add3A_75 : i32 to index
      %swap3A_85 = arith.constant 48 : index
      %swap3A_86 = tpu.vector_load %arg7[%swap3A_84, %swap3A_85] {strides = array<i32>} : memref<125x128xf32, #tpu.memory_space<vmem>>, vector<16xf32>,
      tpu.vector_store %arg7[%swap3A_84, %swap3A_85], %broadcast_in_dim3A_1 {strides = array<i32>} : memref<125x128xf32, #tpu.memory_space<vmem>>, vector<16xf32>,
      %swap3A_87 = arith.index_cast %add3A_75 : i32 to index
      %swap3A_88 = arith.constant 64 : index
      %swap3A_89 = tpu.vector_load %arg7[%swap3A_87, %swap3A_88] {strides = array<i32>} : memref<125x128xf32, #tpu.memory_space<vmem>>, vector<16xf32>,
      tpu.vector_store %arg7[%swap3A_87, %swap3A_88], %broadcast_in_dim3A_1 {strides = array<i32>} : memref<125x128xf32, #tpu.memory_space<vmem>>, vector<16xf32>,
      %swap3A_90 = arith.index_cast %add3A_75 : i32 to index
      %swap3A_91 = arith.constant 80 : index
      %swap3A_92 = tpu.vector_load %arg7[%swap3A_90, %swap3A_91] {strides = array<i32>} : memref<125x128xf32, #tpu.memory_space<vmem>>, vector<16xf32>,
      tpu.vector_store %arg7[%swap3A_90, %swap3A_91], %broadcast_in_dim3A_1 {strides = array<i32>} : memref<125x128xf32, #tpu.memory_space<vmem>>, vector<16xf32>,
      %swap3A_93 = arith.index_cast %add3A_75 : i32 to index
      %swap3A_94 = arith.constant 96 : index
      %swap3A_95 = tpu.vector_load %arg7[%swap3A_93, %swap3A_94] {strides = array<i32>} : memref<125x128xf32, #tpu.memory_space<vmem>>, vector<16xf32>,
      tpu.vector_store %arg7[%swap3A_93, %swap3A_94], %broadcast_in_dim3A_1 {strides = array<i32>} : memref<125x128xf32, #tpu.memory_space<vmem>>, vector<16xf32>,
      %swap3A_96 = arith.index_cast %add3A_75 : i32 to index
      %swap3A_97 = arith.constant 112 : index
      %swap3A_98 = tpu.vector_load %arg7[%swap3A_96, %swap3A_97] {strides = array<i32>} : memref<125x128xf32, #tpu.memory_space<vmem>>, vector<16xf32>,
      tpu.vector_store %arg7[%swap3A_96, %swap3A_97], %broadcast_in_dim3A_1 {strides = array<i32>} : memref<125x128xf32, #tpu.memory_space<vmem>>, vector<16xf32>,
    }
    %scan3A_5 = arith.constant 125 : i32
    %mul3A_6 = arith.constant 625 : i32
    %mul3A_7 = arith.muli %arg1, %mul3A_6 : i32
    %add3A_8 = arith.constant 0 : i32
    %add3A_9 = arith.addi %mul3A_7, %add3A_8 : i32
    "tpu.region"() ({
      %run_scoped3A_71 = tpu.sem_alloc : memref<!tpu.dma_semaphore, #tpu.memory_space<semaphore_mem>>
      %dma_start3A_72 = arith.constant 0 : i32
      %dma_start3A_73 = tpu.memref_slice %arg9[%add3A_9, %dma_start3A_72] : memref<10000x128xf32, #tpu.memory_space<vmem_shared>> -> memref<125x128xf32, #tpu.memory_space<vmem_shared>>
      %dma_start3A_74 = arith.constant 0 : i32
      %dma_start3A_75 = tpu.memref_slice %arg9[%add3A_9, %dma_start3A_74] : memref<10000x128xf32, #tpu.memory_space<vmem_shared>> -> memref<125x128xf32, #tpu.memory_space<vmem_shared>>
      tpu.enqueue_dma source(%arg7 : memref<125x128xf32, #tpu.memory_space<vmem>>) target(%dma_start3A_75 : memref<125x128xf32, #tpu.memory_space<vmem_shared>>) target_semaphore(%run_scoped3A_71 : memref<!tpu.dma_semaphore, #tpu.memory_space<semaphore_mem>>)
      %dma_wait3A = arith.constant 0 : i32
      %dma_wait3A_76 = tpu.memref_slice %arg9[%add3A_9, %dma_wait3A] : memref<10000x128xf32, #tpu.memory_space<vmem_shared>> -> memref<125x128xf32, #tpu.memory_space<vmem_shared>>
      %dma_wait3A_77 = arith.constant 0 : i32
      %dma_wait3A_78 = tpu.memref_slice %arg9[%add3A_9, %dma_wait3A_77] : memref<10000x128xf32, #tpu.memory_space<vmem_shared>> -> memref<125x128xf32, #tpu.memory_space<vmem_shared>>
      tpu.wait_dma2 semaphore(%run_scoped3A_71 : memref<!tpu.dma_semaphore, #tpu.memory_space<semaphore_mem>>) src(%arg7 : memref<125x128xf32, #tpu.memory_space<vmem>>) dst(%dma_wait3A_78 : memref<125x128xf32, #tpu.memory_space<vmem_shared>>)
      tpu.yield
    }) : () -> ()
    %mul3A_10 = arith.constant 625 : i32
    %mul3A_11 = arith.muli %arg1, %mul3A_10 : i32
    %add3A_12 = arith.constant 125 : i32
    %add3A_13 = arith.addi %mul3A_11, %add3A_12 : i32
    "tpu.region"() ({
      %run_scoped3A_71 = tpu.sem_alloc : memref<!tpu.dma_semaphore, #tpu.memory_space<semaphore_mem>>
      %dma_start3A_72 = arith.constant 0 : i32
      %dma_start3A_73 = tpu.memref_slice %arg9[%add3A_13, %dma_start3A_72] : memref<10000x128xf32, #tpu.memory_space<vmem_shared>> -> memref<125x128xf32, #tpu.memory_space<vmem_shared>>
      %dma_start3A_74 = arith.constant 0 : i32
      %dma_start3A_75 = tpu.memref_slice %arg9[%add3A_13, %dma_start3A_74] : memref<10000x128xf32, #tpu.memory_space<vmem_shared>> -> memref<125x128xf32, #tpu.memory_space<vmem_shared>>
      tpu.enqueue_dma source(%arg7 : memref<125x128xf32, #tpu.memory_space<vmem>>) target(%dma_start3A_75 : memref<125x128xf32, #tpu.memory_space<vmem_shared>>) target_semaphore(%run_scoped3A_71 : memref<!tpu.dma_semaphore, #tpu.memory_space<semaphore_mem>>)
      %dma_wait3A = arith.constant 0 : i32
      %dma_wait3A_76 = tpu.memref_slice %arg9[%add3A_13, %dma_wait3A] : memref<10000x128xf32, #tpu.memory_space<vmem_shared>> -> memref<125x128xf32, #tpu.memory_space<vmem_shared>>
      %dma_wait3A_77 = arith.constant 0 : i32
      %dma_wait3A_78 = tpu.memref_slice %arg9[%add3A_13, %dma_wait3A_77] : memref<10000x128xf32, #tpu.memory_space<vmem_shared>> -> memref<125x128xf32, #tpu.memory_space<vmem_shared>>
      tpu.wait_dma2 semaphore(%run_scoped3A_71 : memref<!tpu.dma_semaphore, #tpu.memory_space<semaphore_mem>>) src(%arg7 : memref<125x128xf32, #tpu.memory_space<vmem>>) dst(%dma_wait3A_78 : memref<125x128xf32, #tpu.memory_space<vmem_shared>>)
      tpu.yield
    }) : () -> ()
    %mul3A_14 = arith.constant 625 : i32
    %mul3A_15 = arith.muli %arg1, %mul3A_14 : i32
    %add3A_16 = arith.constant 250 : i32
    %add3A_17 = arith.addi %mul3A_15, %add3A_16 : i32
    "tpu.region"() ({
      %run_scoped3A_71 = tpu.sem_alloc : memref<!tpu.dma_semaphore, #tpu.memory_space<semaphore_mem>>
      %dma_start3A_72 = arith.constant 0 : i32
      %dma_start3A_73 = tpu.memref_slice %arg9[%add3A_17, %dma_start3A_72] : memref<10000x128xf32, #tpu.memory_space<vmem_shared>> -> memref<125x128xf32, #tpu.memory_space<vmem_shared>>
      %dma_start3A_74 = arith.constant 0 : i32
      %dma_start3A_75 = tpu.memref_slice %arg9[%add3A_17, %dma_start3A_74] : memref<10000x128xf32, #tpu.memory_space<vmem_shared>> -> memref<125x128xf32, #tpu.memory_space<vmem_shared>>
      tpu.enqueue_dma source(%arg7 : memref<125x128xf32, #tpu.memory_space<vmem>>) target(%dma_start3A_75 : memref<125x128xf32, #tpu.memory_space<vmem_shared>>) target_semaphore(%run_scoped3A_71 : memref<!tpu.dma_semaphore, #tpu.memory_space<semaphore_mem>>)
      %dma_wait3A = arith.constant 0 : i32
      %dma_wait3A_76 = tpu.memref_slice %arg9[%add3A_17, %dma_wait3A] : memref<10000x128xf32, #tpu.memory_space<vmem_shared>> -> memref<125x128xf32, #tpu.memory_space<vmem_shared>>
      %dma_wait3A_77 = arith.constant 0 : i32
      %dma_wait3A_78 = tpu.memref_slice %arg9[%add3A_17, %dma_wait3A_77] : memref<10000x128xf32, #tpu.memory_space<vmem_shared>> -> memref<125x128xf32, #tpu.memory_space<vmem_shared>>
      tpu.wait_dma2 semaphore(%run_scoped3A_71 : memref<!tpu.dma_semaphore, #tpu.memory_space<semaphore_mem>>) src(%arg7 : memref<125x128xf32, #tpu.memory_space<vmem>>) dst(%dma_wait3A_78 : memref<125x128xf32, #tpu.memory_space<vmem_shared>>)
      tpu.yield
    }) : () -> ()
    %mul3A_18 = arith.constant 625 : i32
    %mul3A_19 = arith.muli %arg1, %mul3A_18 : i32
    %add3A_20 = arith.constant 375 : i32
    %add3A_21 = arith.addi %mul3A_19, %add3A_20 : i32
    "tpu.region"() ({
      %run_scoped3A_71 = tpu.sem_alloc : memref<!tpu.dma_semaphore, #tpu.memory_space<semaphore_mem>>
      %dma_start3A_72 = arith.constant 0 : i32
      %dma_start3A_73 = tpu.memref_slice %arg9[%add3A_21, %dma_start3A_72] : memref<10000x128xf32, #tpu.memory_space<vmem_shared>> -> memref<125x128xf32, #tpu.memory_space<vmem_shared>>
      %dma_start3A_74 = arith.constant 0 : i32
      %dma_start3A_75 = tpu.memref_slice %arg9[%add3A_21, %dma_start3A_74] : memref<10000x128xf32, #tpu.memory_space<vmem_shared>> -> memref<125x128xf32, #tpu.memory_space<vmem_shared>>
      tpu.enqueue_dma source(%arg7 : memref<125x128xf32, #tpu.memory_space<vmem>>) target(%dma_start3A_75 : memref<125x128xf32, #tpu.memory_space<vmem_shared>>) target_semaphore(%run_scoped3A_71 : memref<!tpu.dma_semaphore, #tpu.memory_space<semaphore_mem>>)
      %dma_wait3A = arith.constant 0 : i32
      %dma_wait3A_76 = tpu.memref_slice %arg9[%add3A_21, %dma_wait3A] : memref<10000x128xf32, #tpu.memory_space<vmem_shared>> -> memref<125x128xf32, #tpu.memory_space<vmem_shared>>
      %dma_wait3A_77 = arith.constant 0 : i32
      %dma_wait3A_78 = tpu.memref_slice %arg9[%add3A_21, %dma_wait3A_77] : memref<10000x128xf32, #tpu.memory_space<vmem_shared>> -> memref<125x128xf32, #tpu.memory_space<vmem_shared>>
      tpu.wait_dma2 semaphore(%run_scoped3A_71 : memref<!tpu.dma_semaphore, #tpu.memory_space<semaphore_mem>>) src(%arg7 : memref<125x128xf32, #tpu.memory_space<vmem>>) dst(%dma_wait3A_78 : memref<125x128xf32, #tpu.memory_space<vmem_shared>>)
      tpu.yield
    }) : () -> ()
    %mul3A_22 = arith.constant 625 : i32
    %mul3A_23 = arith.muli %arg1, %mul3A_22 : i32
    %add3A_24 = arith.constant 500 : i32
    %add3A_25 = arith.addi %mul3A_23, %add3A_24 : i32
    "tpu.region"() ({
      %run_scoped3A_71 = tpu.sem_alloc : memref<!tpu.dma_semaphore, #tpu.memory_space<semaphore_mem>>
      %dma_start3A_72 = arith.constant 0 : i32
      %dma_start3A_73 = tpu.memref_slice %arg9[%add3A_25, %dma_start3A_72] : memref<10000x128xf32, #tpu.memory_space<vmem_shared>> -> memref<125x128xf32, #tpu.memory_space<vmem_shared>>
      %dma_start3A_74 = arith.constant 0 : i32
      %dma_start3A_75 = tpu.memref_slice %arg9[%add3A_25, %dma_start3A_74] : memref<10000x128xf32, #tpu.memory_space<vmem_shared>> -> memref<125x128xf32, #tpu.memory_space<vmem_shared>>
      tpu.enqueue_dma source(%arg7 : memref<125x128xf32, #tpu.memory_space<vmem>>) target(%dma_start3A_75 : memref<125x128xf32, #tpu.memory_space<vmem_shared>>) target_semaphore(%run_scoped3A_71 : memref<!tpu.dma_semaphore, #tpu.memory_space<semaphore_mem>>)
      %dma_wait3A = arith.constant 0 : i32
      %dma_wait3A_76 = tpu.memref_slice %arg9[%add3A_25, %dma_wait3A] : memref<10000x128xf32, #tpu.memory_space<vmem_shared>> -> memref<125x128xf32, #tpu.memory_space<vmem_shared>>
      %dma_wait3A_77 = arith.constant 0 : i32
      %dma_wait3A_78 = tpu.memref_slice %arg9[%add3A_25, %dma_wait3A_77] : memref<10000x128xf32, #tpu.memory_space<vmem_shared>> -> memref<125x128xf32, #tpu.memory_space<vmem_shared>>
      tpu.wait_dma2 semaphore(%run_scoped3A_71 : memref<!tpu.dma_semaphore, #tpu.memory_space<semaphore_mem>>) src(%arg7 : memref<125x128xf32, #tpu.memory_space<vmem>>) dst(%dma_wait3A_78 : memref<125x128xf32, #tpu.memory_space<vmem_shared>>)
      tpu.yield
    }) : () -> ()
    %barrier3A = arith.constant 0 : index
    tpu.barrier barrier_id(%barrier3A)
    %run_scoped3A = arith.constant 0 : i32
    "tpu.region"() ({
      %run_scoped3A_71 = tpu.sem_alloc : memref<!tpu.dma_semaphore, #tpu.memory_space<semaphore_mem>>
      %dma_start3A_72 = arith.constant 0 : i32
      %dma_start3A_73 = arith.constant 0 : i32
      %dma_start3A_74 = tpu.memref_slice %arg3[%run_scoped3A, %add3A, %dma_start3A_72, %dma_start3A_73] : memref<2x32x80x125xi32, #tpu.memory_space<hbm>> -> memref<1x1x40x125xi32, #tpu.memory_space<hbm>>
      %dma_start3A_75 = tpu.memref_squeeze %dma_start3A_74 : memref<1x1x40x125xi32, #tpu.memory_space<hbm>> -> memref<40x125xi32, #tpu.memory_space<hbm>>
      %dma_start3A_76 = arith.constant 0 : i32
      %dma_start3A_77 = arith.constant 0 : i32
      %dma_start3A_78 = tpu.memref_slice %arg3[%run_scoped3A, %add3A, %dma_start3A_76, %dma_start3A_77] : memref<2x32x80x125xi32, #tpu.memory_space<hbm>> -> memref<1x1x40x125xi32, #tpu.memory_space<hbm>>
      %dma_start3A_79 = tpu.memref_squeeze %dma_start3A_78 : memref<1x1x40x125xi32, #tpu.memory_space<hbm>> -> memref<40x125xi32, #tpu.memory_space<hbm>>
      tpu.enqueue_dma source(%dma_start3A_79 : memref<40x125xi32, #tpu.memory_space<hbm>>) target(%arg5 : memref<40x125xi32, #tpu.memory_space<vmem>>) target_semaphore(%run_scoped3A_71 : memref<!tpu.dma_semaphore, #tpu.memory_space<semaphore_mem>>)
      %dma_wait3A = arith.constant 0 : i32
      %dma_wait3A_80 = arith.constant 0 : i32
      %dma_wait3A_81 = tpu.memref_slice %arg3[%run_scoped3A, %add3A, %dma_wait3A, %dma_wait3A_80] : memref<2x32x80x125xi32, #tpu.memory_space<hbm>> -> memref<1x1x40x125xi32, #tpu.memory_space<hbm>>
      %dma_wait3A_82 = tpu.memref_squeeze %dma_wait3A_81 : memref<1x1x40x125xi32, #tpu.memory_space<hbm>> -> memref<40x125xi32, #tpu.memory_space<hbm>>
      %dma_wait3A_83 = arith.constant 0 : i32
      %dma_wait3A_84 = arith.constant 0 : i32
      %dma_wait3A_85 = tpu.memref_slice %arg3[%run_scoped3A, %add3A, %dma_wait3A_83, %dma_wait3A_84] : memref<2x32x80x125xi32, #tpu.memory_space<hbm>> -> memref<1x1x40x125xi32, #tpu.memory_space<hbm>>
      %dma_wait3A_86 = tpu.memref_squeeze %dma_wait3A_85 : memref<1x1x40x125xi32, #tpu.memory_space<hbm>> -> memref<40x125xi32, #tpu.memory_space<hbm>>
      tpu.wait_dma2 semaphore(%run_scoped3A_71 : memref<!tpu.dma_semaphore, #tpu.memory_space<semaphore_mem>>) src(%dma_wait3A_86 : memref<40x125xi32, #tpu.memory_space<hbm>>) dst(%arg5 : memref<40x125xi32, #tpu.memory_space<vmem>>)
      tpu.yield
    }) : () -> ()
    %run_scoped3A_26 = arith.constant 1 : i32
    "tpu.region"() ({
      %run_scoped3A_71 = tpu.sem_alloc : memref<!tpu.dma_semaphore, #tpu.memory_space<semaphore_mem>>
      %dma_start3A_72 = arith.constant 0 : i32
      %dma_start3A_73 = arith.constant 0 : i32
      %dma_start3A_74 = tpu.memref_slice %arg3[%run_scoped3A_26, %add3A, %dma_start3A_72, %dma_start3A_73] : memref<2x32x80x125xi32, #tpu.memory_space<hbm>> -> memref<1x1x40x125xi32, #tpu.memory_space<hbm>>
      %dma_start3A_75 = tpu.memref_squeeze %dma_start3A_74 : memref<1x1x40x125xi32, #tpu.memory_space<hbm>> -> memref<40x125xi32, #tpu.memory_space<hbm>>
      %dma_start3A_76 = arith.constant 0 : i32
      %dma_start3A_77 = arith.constant 0 : i32
      %dma_start3A_78 = tpu.memref_slice %arg3[%run_scoped3A_26, %add3A, %dma_start3A_76, %dma_start3A_77] : memref<2x32x80x125xi32, #tpu.memory_space<hbm>> -> memref<1x1x40x125xi32, #tpu.memory_space<hbm>>
      %dma_start3A_79 = tpu.memref_squeeze %dma_start3A_78 : memref<1x1x40x125xi32, #tpu.memory_space<hbm>> -> memref<40x125xi32, #tpu.memory_space<hbm>>
      tpu.enqueue_dma source(%dma_start3A_79 : memref<40x125xi32, #tpu.memory_space<hbm>>) target(%arg6 : memref<40x125xi32, #tpu.memory_space<vmem>>) target_semaphore(%run_scoped3A_71 : memref<!tpu.dma_semaphore, #tpu.memory_space<semaphore_mem>>)
      %dma_wait3A = arith.constant 0 : i32
      %dma_wait3A_80 = arith.constant 0 : i32
      %dma_wait3A_81 = tpu.memref_slice %arg3[%run_scoped3A_26, %add3A, %dma_wait3A, %dma_wait3A_80] : memref<2x32x80x125xi32, #tpu.memory_space<hbm>> -> memref<1x1x40x125xi32, #tpu.memory_space<hbm>>
      %dma_wait3A_82 = tpu.memref_squeeze %dma_wait3A_81 : memref<1x1x40x125xi32, #tpu.memory_space<hbm>> -> memref<40x125xi32, #tpu.memory_space<hbm>>
      %dma_wait3A_83 = arith.constant 0 : i32
      %dma_wait3A_84 = arith.constant 0 : i32
      %dma_wait3A_85 = tpu.memref_slice %arg3[%run_scoped3A_26, %add3A, %dma_wait3A_83, %dma_wait3A_84] : memref<2x32x80x125xi32, #tpu.memory_space<hbm>> -> memref<1x1x40x125xi32, #tpu.memory_space<hbm>>
      %dma_wait3A_86 = tpu.memref_squeeze %dma_wait3A_85 : memref<1x1x40x125xi32, #tpu.memory_space<hbm>> -> memref<40x125xi32, #tpu.memory_space<hbm>>
      tpu.wait_dma2 semaphore(%run_scoped3A_71 : memref<!tpu.dma_semaphore, #tpu.memory_space<semaphore_mem>>) src(%dma_wait3A_86 : memref<40x125xi32, #tpu.memory_space<hbm>>) dst(%arg6 : memref<40x125xi32, #tpu.memory_space<vmem>>)
      tpu.yield
    }) : () -> ()
    %dma_start3A = arith.constant 0 : i32
    %dma_start3A_27 = arith.constant 0 : i32
    %dma_start3A_28 = tpu.memref_slice %arg5[%dma_start3A, %dma_start3A_27] : memref<40x125xi32, #tpu.memory_space<vmem>> -> memref<1x125xi32, #tpu.memory_space<vmem>>
    %dma_start3A_29 = tpu.memref_squeeze %dma_start3A_28 : memref<1x125xi32, #tpu.memory_space<vmem>> -> memref<125xi32, #tpu.memory_space<vmem>>
    %dma_start3A_30 = arith.constant 0 : i32
    %dma_start3A_31 = arith.constant 0 : i32
    %dma_start3A_32 = tpu.memref_slice %arg2[%dma_start3A_30, %dma_start3A_31] : memref<10000x128xf32, #tpu.memory_space<hbm>> -> memref<10000x128xf32, #tpu.memory_space<hbm>>
    tpu.enqueue_indirect_dma source(%dma_start3A_32 : memref<10000x128xf32, #tpu.memory_space<hbm>>) target(%arg7 : memref<125x128xf32, #tpu.memory_space<vmem>>) offsets(%dma_start3A_29 : memref<125xi32, #tpu.memory_space<vmem>>) semaphore(%arg10 : memref<!tpu.dma_semaphore, #tpu.memory_space<semaphore_mem>>)
    %dma_start3A_33 = arith.constant 1 : i32
    %dma_start3A_34 = arith.constant 0 : i32
    %dma_start3A_35 = tpu.memref_slice %arg5[%dma_start3A_33, %dma_start3A_34] : memref<40x125xi32, #tpu.memory_space<vmem>> -> memref<1x125xi32, #tpu.memory_space<vmem>>
    %dma_start3A_36 = tpu.memref_squeeze %dma_start3A_35 : memref<1x125xi32, #tpu.memory_space<vmem>> -> memref<125xi32, #tpu.memory_space<vmem>>
    %dma_start3A_37 = arith.constant 0 : i32
    %dma_start3A_38 = arith.constant 0 : i32
    %dma_start3A_39 = tpu.memref_slice %arg2[%dma_start3A_37, %dma_start3A_38] : memref<10000x128xf32, #tpu.memory_space<hbm>> -> memref<10000x128xf32, #tpu.memory_space<hbm>>
    tpu.enqueue_indirect_dma source(%dma_start3A_39 : memref<10000x128xf32, #tpu.memory_space<hbm>>) target(%arg8 : memref<125x128xf32, #tpu.memory_space<vmem>>) offsets(%dma_start3A_36 : memref<125xi32, #tpu.memory_space<vmem>>) semaphore(%arg11 : memref<!tpu.dma_semaphore, #tpu.memory_space<semaphore_mem>>)
    %scan3A_40 = arith.constant 0 : i32
    %scan3A_41 = arith.constant 20 : i32
    %scan3A_42 = arith.addi %scan3A_40, %scan3A_41 : i32
    %scan3A_43 = arith.constant 1 : i32
    scf.for %scan3A_71 = %scan3A_40 to %scan3A_42 step %scan3A_43  : i32 {
      %mul3A_72 = arith.constant 2 : i32
      %mul3A_73 = arith.muli %scan3A_71, %mul3A_72 : i32
      %add3A_74 = arith.constant 0 : i32
      %add3A_75 = arith.addi %add3A_74, %mul3A_73 : i32
      %dma_wait3A = arith.constant 0 : i32
      %dma_wait3A_76 = tpu.memref_slice %arg5[%add3A_75, %dma_wait3A] : memref<40x125xi32, #tpu.memory_space<vmem>> -> memref<1x125xi32, #tpu.memory_space<vmem>>
      %dma_wait3A_77 = tpu.memref_squeeze %dma_wait3A_76 : memref<1x125xi32, #tpu.memory_space<vmem>> -> memref<125xi32, #tpu.memory_space<vmem>>
      %dma_wait3A_78 = arith.constant 0 : i32
      %dma_wait3A_79 = arith.constant 0 : i32
      %dma_wait3A_80 = tpu.memref_slice %arg2[%dma_wait3A_78, %dma_wait3A_79] : memref<10000x128xf32, #tpu.memory_space<hbm>> -> memref<10000x128xf32, #tpu.memory_space<hbm>>
      tpu.wait_indirect_dma semaphore(%arg10 : memref<!tpu.dma_semaphore, #tpu.memory_space<semaphore_mem>>) src(%dma_wait3A_80 : memref<10000x128xf32, #tpu.memory_space<hbm>>) dst(%arg7 : memref<125x128xf32, #tpu.memory_space<vmem>>)
      %dma_start3A_81 = arith.constant 0 : i32
      %dma_start3A_82 = tpu.memref_slice %arg6[%add3A_75, %dma_start3A_81] : memref<40x125xi32, #tpu.memory_space<vmem>> -> memref<1x125xi32, #tpu.memory_space<vmem>>
      %dma_start3A_83 = tpu.memref_squeeze %dma_start3A_82 : memref<1x125xi32, #tpu.memory_space<vmem>> -> memref<125xi32, #tpu.memory_space<vmem>>
      %dma_start3A_84 = arith.constant 0 : i32
      %dma_start3A_85 = arith.constant 0 : i32
      %dma_start3A_86 = tpu.memref_slice %arg9[%dma_start3A_84, %dma_start3A_85] : memref<10000x128xf32, #tpu.memory_space<vmem_shared>> -> memref<10000x128xf32, #tpu.memory_space<vmem_shared>>
      tpu.enqueue_indirect_dma source(%arg7 : memref<125x128xf32, #tpu.memory_space<vmem>>) target(%dma_start3A_86 : memref<10000x128xf32, #tpu.memory_space<vmem_shared>>) offsets(%dma_start3A_83 : memref<125xi32, #tpu.memory_space<vmem>>) semaphore(%arg12 : memref<!tpu.dma_semaphore, #tpu.memory_space<semaphore_mem>>) {add = true}
      %dma_wait3A_87 = arith.constant 0 : i32
      %dma_wait3A_88 = tpu.memref_slice %arg6[%add3A_75, %dma_wait3A_87] : memref<40x125xi32, #tpu.memory_space<vmem>> -> memref<1x125xi32, #tpu.memory_space<vmem>>
      %dma_wait3A_89 = tpu.memref_squeeze %dma_wait3A_88 : memref<1x125xi32, #tpu.memory_space<vmem>> -> memref<125xi32, #tpu.memory_space<vmem>>
      %dma_wait3A_90 = arith.constant 0 : i32
      %dma_wait3A_91 = arith.constant 0 : i32
      %dma_wait3A_92 = tpu.memref_slice %arg9[%dma_wait3A_90, %dma_wait3A_91] : memref<10000x128xf32, #tpu.memory_space<vmem_shared>> -> memref<10000x128xf32, #tpu.memory_space<vmem_shared>>
      tpu.wait_indirect_dma semaphore(%arg12 : memref<!tpu.dma_semaphore, #tpu.memory_space<semaphore_mem>>) src(%arg7 : memref<125x128xf32, #tpu.memory_space<vmem>>) dst(%dma_wait3A_92 : memref<10000x128xf32, #tpu.memory_space<vmem_shared>>)
      %add3A_93 = arith.constant 2 : i32
      %add3A_94 = arith.addi %add3A_75, %add3A_93 : i32
      %lt3A = arith.constant 40 : i32
      %lt3A_95 = arith.cmpi slt, %add3A_94, %lt3A : i32
      %convert_element_type3A = arith.extui %lt3A_95 : i1 to i32
      %cond3A = arith.constant 0 : i32
      %cond3A_96 = arith.cmpi ne, %convert_element_type3A, %cond3A : i32
      scf.if %cond3A_96 {
        %add3A_128 = arith.constant 2 : i32
        %add3A_129 = arith.addi %add3A_75, %add3A_128 : i32
        %dma_start3A_130 = arith.constant 0 : i32
        %dma_start3A_131 = tpu.memref_slice %arg5[%add3A_129, %dma_start3A_130] : memref<40x125xi32, #tpu.memory_space<vmem>> -> memref<1x125xi32, #tpu.memory_space<vmem>>
        %dma_start3A_132 = tpu.memref_squeeze %dma_start3A_131 : memref<1x125xi32, #tpu.memory_space<vmem>> -> memref<125xi32, #tpu.memory_space<vmem>>
        %dma_start3A_133 = arith.constant 0 : i32
        %dma_start3A_134 = arith.constant 0 : i32
        %dma_start3A_135 = tpu.memref_slice %arg2[%dma_start3A_133, %dma_start3A_134] : memref<10000x128xf32, #tpu.memory_space<hbm>> -> memref<10000x128xf32, #tpu.memory_space<hbm>>
        tpu.enqueue_indirect_dma source(%dma_start3A_135 : memref<10000x128xf32, #tpu.memory_space<hbm>>) target(%arg7 : memref<125x128xf32, #tpu.memory_space<vmem>>) offsets(%dma_start3A_132 : memref<125xi32, #tpu.memory_space<vmem>>) semaphore(%arg10 : memref<!tpu.dma_semaphore, #tpu.memory_space<semaphore_mem>>)
      } else {
      }
      %add3A_97 = arith.constant 1 : i32
      %add3A_98 = arith.addi %add3A_75, %add3A_97 : i32
      %dma_wait3A_99 = arith.constant 0 : i32
      %dma_wait3A_100 = tpu.memref_slice %arg5[%add3A_98, %dma_wait3A_99] : memref<40x125xi32, #tpu.memory_space<vmem>> -> memref<1x125xi32, #tpu.memory_space<vmem>>
      %dma_wait3A_101 = tpu.memref_squeeze %dma_wait3A_100 : memref<1x125xi32, #tpu.memory_space<vmem>> -> memref<125xi32, #tpu.memory_space<vmem>>
      %dma_wait3A_102 = arith.constant 0 : i32
      %dma_wait3A_103 = arith.constant 0 : i32
      %dma_wait3A_104 = tpu.memref_slice %arg2[%dma_wait3A_102, %dma_wait3A_103] : memref<10000x128xf32, #tpu.memory_space<hbm>> -> memref<10000x128xf32, #tpu.memory_space<hbm>>
      tpu.wait_indirect_dma semaphore(%arg11 : memref<!tpu.dma_semaphore, #tpu.memory_space<semaphore_mem>>) src(%dma_wait3A_104 : memref<10000x128xf32, #tpu.memory_space<hbm>>) dst(%arg8 : memref<125x128xf32, #tpu.memory_space<vmem>>)
      %add3A_105 = arith.constant 1 : i32
      %add3A_106 = arith.addi %add3A_75, %add3A_105 : i32
      %dma_start3A_107 = arith.constant 0 : i32
      %dma_start3A_108 = tpu.memref_slice %arg6[%add3A_106, %dma_start3A_107] : memref<40x125xi32, #tpu.memory_space<vmem>> -> memref<1x125xi32, #tpu.memory_space<vmem>>
      %dma_start3A_109 = tpu.memref_squeeze %dma_start3A_108 : memref<1x125xi32, #tpu.memory_space<vmem>> -> memref<125xi32, #tpu.memory_space<vmem>>
      %dma_start3A_110 = arith.constant 0 : i32
      %dma_start3A_111 = arith.constant 0 : i32
      %dma_start3A_112 = tpu.memref_slice %arg9[%dma_start3A_110, %dma_start3A_111] : memref<10000x128xf32, #tpu.memory_space<vmem_shared>> -> memref<10000x128xf32, #tpu.memory_space<vmem_shared>>
      tpu.enqueue_indirect_dma source(%arg8 : memref<125x128xf32, #tpu.memory_space<vmem>>) target(%dma_start3A_112 : memref<10000x128xf32, #tpu.memory_space<vmem_shared>>) offsets(%dma_start3A_109 : memref<125xi32, #tpu.memory_space<vmem>>) semaphore(%arg13 : memref<!tpu.dma_semaphore, #tpu.memory_space<semaphore_mem>>) {add = true}
      %add3A_113 = arith.constant 1 : i32
      %add3A_114 = arith.addi %add3A_75, %add3A_113 : i32
      %dma_wait3A_115 = arith.constant 0 : i32
      %dma_wait3A_116 = tpu.memref_slice %arg6[%add3A_114, %dma_wait3A_115] : memref<40x125xi32, #tpu.memory_space<vmem>> -> memref<1x125xi32, #tpu.memory_space<vmem>>
      %dma_wait3A_117 = tpu.memref_squeeze %dma_wait3A_116 : memref<1x125xi32, #tpu.memory_space<vmem>> -> memref<125xi32, #tpu.memory_space<vmem>>
      %dma_wait3A_118 = arith.constant 0 : i32
      %dma_wait3A_119 = arith.constant 0 : i32
      %dma_wait3A_120 = tpu.memref_slice %arg9[%dma_wait3A_118, %dma_wait3A_119] : memref<10000x128xf32, #tpu.memory_space<vmem_shared>> -> memref<10000x128xf32, #tpu.memory_space<vmem_shared>>
      tpu.wait_indirect_dma semaphore(%arg13 : memref<!tpu.dma_semaphore, #tpu.memory_space<semaphore_mem>>) src(%arg8 : memref<125x128xf32, #tpu.memory_space<vmem>>) dst(%dma_wait3A_120 : memref<10000x128xf32, #tpu.memory_space<vmem_shared>>)
      %add3A_121 = arith.constant 3 : i32
      %add3A_122 = arith.addi %add3A_75, %add3A_121 : i32
      %lt3A_123 = arith.constant 40 : i32
      %lt3A_124 = arith.cmpi slt, %add3A_122, %lt3A_123 : i32
      %convert_element_type3A_125 = arith.extui %lt3A_124 : i1 to i32
      %cond3A_126 = arith.constant 0 : i32
      %cond3A_127 = arith.cmpi ne, %convert_element_type3A_125, %cond3A_126 : i32
      scf.if %cond3A_127 {
        %add3A_128 = arith.constant 3 : i32
        %add3A_129 = arith.addi %add3A_75, %add3A_128 : i32
        %dma_start3A_130 = arith.constant 0 : i32
        %dma_start3A_131 = tpu.memref_slice %arg5[%add3A_129, %dma_start3A_130] : memref<40x125xi32, #tpu.memory_space<vmem>> -> memref<1x125xi32, #tpu.memory_space<vmem>>
        %dma_start3A_132 = tpu.memref_squeeze %dma_start3A_131 : memref<1x125xi32, #tpu.memory_space<vmem>> -> memref<125xi32, #tpu.memory_space<vmem>>
        %dma_start3A_133 = arith.constant 0 : i32
        %dma_start3A_134 = arith.constant 0 : i32
        %dma_start3A_135 = tpu.memref_slice %arg2[%dma_start3A_133, %dma_start3A_134] : memref<10000x128xf32, #tpu.memory_space<hbm>> -> memref<10000x128xf32, #tpu.memory_space<hbm>>
        tpu.enqueue_indirect_dma source(%dma_start3A_135 : memref<10000x128xf32, #tpu.memory_space<hbm>>) target(%arg8 : memref<125x128xf32, #tpu.memory_space<vmem>>) offsets(%dma_start3A_132 : memref<125xi32, #tpu.memory_space<vmem>>) semaphore(%arg11 : memref<!tpu.dma_semaphore, #tpu.memory_space<semaphore_mem>>)
      } else {
      }
    }
    %scan3A_44 = arith.constant 20 : i32
    %run_scoped3A_45 = arith.constant 0 : i32
    "tpu.region"() ({
      %run_scoped3A_71 = tpu.sem_alloc : memref<!tpu.dma_semaphore, #tpu.memory_space<semaphore_mem>>
      %dma_start3A_72 = arith.constant 40 : i32
      %dma_start3A_73 = arith.constant 0 : i32
      %dma_start3A_74 = tpu.memref_slice %arg3[%run_scoped3A_45, %add3A, %dma_start3A_72, %dma_start3A_73] : memref<2x32x80x125xi32, #tpu.memory_space<hbm>> -> memref<1x1x40x125xi32, #tpu.memory_space<hbm>>
      %dma_start3A_75 = tpu.memref_squeeze %dma_start3A_74 : memref<1x1x40x125xi32, #tpu.memory_space<hbm>> -> memref<40x125xi32, #tpu.memory_space<hbm>>
      %dma_start3A_76 = arith.constant 40 : i32
      %dma_start3A_77 = arith.constant 0 : i32
      %dma_start3A_78 = tpu.memref_slice %arg3[%run_scoped3A_45, %add3A, %dma_start3A_76, %dma_start3A_77] : memref<2x32x80x125xi32, #tpu.memory_space<hbm>> -> memref<1x1x40x125xi32, #tpu.memory_space<hbm>>
      %dma_start3A_79 = tpu.memref_squeeze %dma_start3A_78 : memref<1x1x40x125xi32, #tpu.memory_space<hbm>> -> memref<40x125xi32, #tpu.memory_space<hbm>>
      tpu.enqueue_dma source(%dma_start3A_79 : memref<40x125xi32, #tpu.memory_space<hbm>>) target(%arg5 : memref<40x125xi32, #tpu.memory_space<vmem>>) target_semaphore(%run_scoped3A_71 : memref<!tpu.dma_semaphore, #tpu.memory_space<semaphore_mem>>)
      %dma_wait3A = arith.constant 40 : i32
      %dma_wait3A_80 = arith.constant 0 : i32
      %dma_wait3A_81 = tpu.memref_slice %arg3[%run_scoped3A_45, %add3A, %dma_wait3A, %dma_wait3A_80] : memref<2x32x80x125xi32, #tpu.memory_space<hbm>> -> memref<1x1x40x125xi32, #tpu.memory_space<hbm>>
      %dma_wait3A_82 = tpu.memref_squeeze %dma_wait3A_81 : memref<1x1x40x125xi32, #tpu.memory_space<hbm>> -> memref<40x125xi32, #tpu.memory_space<hbm>>
      %dma_wait3A_83 = arith.constant 40 : i32
      %dma_wait3A_84 = arith.constant 0 : i32
      %dma_wait3A_85 = tpu.memref_slice %arg3[%run_scoped3A_45, %add3A, %dma_wait3A_83, %dma_wait3A_84] : memref<2x32x80x125xi32, #tpu.memory_space<hbm>> -> memref<1x1x40x125xi32, #tpu.memory_space<hbm>>
      %dma_wait3A_86 = tpu.memref_squeeze %dma_wait3A_85 : memref<1x1x40x125xi32, #tpu.memory_space<hbm>> -> memref<40x125xi32, #tpu.memory_space<hbm>>
      tpu.wait_dma2 semaphore(%run_scoped3A_71 : memref<!tpu.dma_semaphore, #tpu.memory_space<semaphore_mem>>) src(%dma_wait3A_86 : memref<40x125xi32, #tpu.memory_space<hbm>>) dst(%arg5 : memref<40x125xi32, #tpu.memory_space<vmem>>)
      tpu.yield
    }) : () -> ()
    %run_scoped3A_46 = arith.constant 1 : i32
    "tpu.region"() ({
      %run_scoped3A_71 = tpu.sem_alloc : memref<!tpu.dma_semaphore, #tpu.memory_space<semaphore_mem>>
      %dma_start3A_72 = arith.constant 40 : i32
      %dma_start3A_73 = arith.constant 0 : i32
      %dma_start3A_74 = tpu.memref_slice %arg3[%run_scoped3A_46, %add3A, %dma_start3A_72, %dma_start3A_73] : memref<2x32x80x125xi32, #tpu.memory_space<hbm>> -> memref<1x1x40x125xi32, #tpu.memory_space<hbm>>
      %dma_start3A_75 = tpu.memref_squeeze %dma_start3A_74 : memref<1x1x40x125xi32, #tpu.memory_space<hbm>> -> memref<40x125xi32, #tpu.memory_space<hbm>>
      %dma_start3A_76 = arith.constant 40 : i32
      %dma_start3A_77 = arith.constant 0 : i32
      %dma_start3A_78 = tpu.memref_slice %arg3[%run_scoped3A_46, %add3A, %dma_start3A_76, %dma_start3A_77] : memref<2x32x80x125xi32, #tpu.memory_space<hbm>> -> memref<1x1x40x125xi32, #tpu.memory_space<hbm>>
      %dma_start3A_79 = tpu.memref_squeeze %dma_start3A_78 : memref<1x1x40x125xi32, #tpu.memory_space<hbm>> -> memref<40x125xi32, #tpu.memory_space<hbm>>
      tpu.enqueue_dma source(%dma_start3A_79 : memref<40x125xi32, #tpu.memory_space<hbm>>) target(%arg6 : memref<40x125xi32, #tpu.memory_space<vmem>>) target_semaphore(%run_scoped3A_71 : memref<!tpu.dma_semaphore, #tpu.memory_space<semaphore_mem>>)
      %dma_wait3A = arith.constant 40 : i32
      %dma_wait3A_80 = arith.constant 0 : i32
      %dma_wait3A_81 = tpu.memref_slice %arg3[%run_scoped3A_46, %add3A, %dma_wait3A, %dma_wait3A_80] : memref<2x32x80x125xi32, #tpu.memory_space<hbm>> -> memref<1x1x40x125xi32, #tpu.memory_space<hbm>>
      %dma_wait3A_82 = tpu.memref_squeeze %dma_wait3A_81 : memref<1x1x40x125xi32, #tpu.memory_space<hbm>> -> memref<40x125xi32, #tpu.memory_space<hbm>>
      %dma_wait3A_83 = arith.constant 40 : i32
      %dma_wait3A_84 = arith.constant 0 : i32
      %dma_wait3A_85 = tpu.memref_slice %arg3[%run_scoped3A_46, %add3A, %dma_wait3A_83, %dma_wait3A_84] : memref<2x32x80x125xi32, #tpu.memory_space<hbm>> -> memref<1x1x40x125xi32, #tpu.memory_space<hbm>>
      %dma_wait3A_86 = tpu.memref_squeeze %dma_wait3A_85 : memref<1x1x40x125xi32, #tpu.memory_space<hbm>> -> memref<40x125xi32, #tpu.memory_space<hbm>>
      tpu.wait_dma2 semaphore(%run_scoped3A_71 : memref<!tpu.dma_semaphore, #tpu.memory_space<semaphore_mem>>) src(%dma_wait3A_86 : memref<40x125xi32, #tpu.memory_space<hbm>>) dst(%arg6 : memref<40x125xi32, #tpu.memory_space<vmem>>)
      tpu.yield
    }) : () -> ()
    %dma_start3A_47 = arith.constant 0 : i32
    %dma_start3A_48 = arith.constant 0 : i32
    %dma_start3A_49 = tpu.memref_slice %arg5[%dma_start3A_47, %dma_start3A_48] : memref<40x125xi32, #tpu.memory_space<vmem>> -> memref<1x125xi32, #tpu.memory_space<vmem>>
    %dma_start3A_50 = tpu.memref_squeeze %dma_start3A_49 : memref<1x125xi32, #tpu.memory_space<vmem>> -> memref<125xi32, #tpu.memory_space<vmem>>
    %dma_start3A_51 = arith.constant 0 : i32
    %dma_start3A_52 = arith.constant 0 : i32
    %dma_start3A_53 = tpu.memref_slice %arg2[%dma_start3A_51, %dma_start3A_52] : memref<10000x128xf32, #tpu.memory_space<hbm>> -> memref<10000x128xf32, #tpu.memory_space<hbm>>
    tpu.enqueue_indirect_dma source(%dma_start3A_53 : memref<10000x128xf32, #tpu.memory_space<hbm>>) target(%arg7 : memref<125x128xf32, #tpu.memory_space<vmem>>) offsets(%dma_start3A_50 : memref<125xi32, #tpu.memory_space<vmem>>) semaphore(%arg10 : memref<!tpu.dma_semaphore, #tpu.memory_space<semaphore_mem>>)
    %dma_start3A_54 = arith.constant 1 : i32
    %dma_start3A_55 = arith.constant 0 : i32
    %dma_start3A_56 = tpu.memref_slice %arg5[%dma_start3A_54, %dma_start3A_55] : memref<40x125xi32, #tpu.memory_space<vmem>> -> memref<1x125xi32, #tpu.memory_space<vmem>>
    %dma_start3A_57 = tpu.memref_squeeze %dma_start3A_56 : memref<1x125xi32, #tpu.memory_space<vmem>> -> memref<125xi32, #tpu.memory_space<vmem>>
    %dma_start3A_58 = arith.constant 0 : i32
    %dma_start3A_59 = arith.constant 0 : i32
    %dma_start3A_60 = tpu.memref_slice %arg2[%dma_start3A_58, %dma_start3A_59] : memref<10000x128xf32, #tpu.memory_space<hbm>> -> memref<10000x128xf32, #tpu.memory_space<hbm>>
    tpu.enqueue_indirect_dma source(%dma_start3A_60 : memref<10000x128xf32, #tpu.memory_space<hbm>>) target(%arg8 : memref<125x128xf32, #tpu.memory_space<vmem>>) offsets(%dma_start3A_57 : memref<125xi32, #tpu.memory_space<vmem>>) semaphore(%arg11 : memref<!tpu.dma_semaphore, #tpu.memory_space<semaphore_mem>>)
    %scan3A_61 = arith.constant 0 : i32
    %scan3A_62 = arith.constant 20 : i32
    %scan3A_63 = arith.addi %scan3A_61, %scan3A_62 : i32
    %scan3A_64 = arith.constant 1 : i32
    scf.for %scan3A_71 = %scan3A_61 to %scan3A_63 step %scan3A_64  : i32 {
      %mul3A_72 = arith.constant 2 : i32
      %mul3A_73 = arith.muli %scan3A_71, %mul3A_72 : i32
      %add3A_74 = arith.constant 0 : i32
      %add3A_75 = arith.addi %add3A_74, %mul3A_73 : i32
      %dma_wait3A = arith.constant 0 : i32
      %dma_wait3A_76 = tpu.memref_slice %arg5[%add3A_75, %dma_wait3A] : memref<40x125xi32, #tpu.memory_space<vmem>> -> memref<1x125xi32, #tpu.memory_space<vmem>>
      %dma_wait3A_77 = tpu.memref_squeeze %dma_wait3A_76 : memref<1x125xi32, #tpu.memory_space<vmem>> -> memref<125xi32, #tpu.memory_space<vmem>>
      %dma_wait3A_78 = arith.constant 0 : i32
      %dma_wait3A_79 = arith.constant 0 : i32
      %dma_wait3A_80 = tpu.memref_slice %arg2[%dma_wait3A_78, %dma_wait3A_79] : memref<10000x128xf32, #tpu.memory_space<hbm>> -> memref<10000x128xf32, #tpu.memory_space<hbm>>
      tpu.wait_indirect_dma semaphore(%arg10 : memref<!tpu.dma_semaphore, #tpu.memory_space<semaphore_mem>>) src(%dma_wait3A_80 : memref<10000x128xf32, #tpu.memory_space<hbm>>) dst(%arg7 : memref<125x128xf32, #tpu.memory_space<vmem>>)
      %dma_start3A_81 = arith.constant 0 : i32
      %dma_start3A_82 = tpu.memref_slice %arg6[%add3A_75, %dma_start3A_81] : memref<40x125xi32, #tpu.memory_space<vmem>> -> memref<1x125xi32, #tpu.memory_space<vmem>>
      %dma_start3A_83 = tpu.memref_squeeze %dma_start3A_82 : memref<1x125xi32, #tpu.memory_space<vmem>> -> memref<125xi32, #tpu.memory_space<vmem>>
      %dma_start3A_84 = arith.constant 0 : i32
      %dma_start3A_85 = arith.constant 0 : i32
      %dma_start3A_86 = tpu.memref_slice %arg9[%dma_start3A_84, %dma_start3A_85] : memref<10000x128xf32, #tpu.memory_space<vmem_shared>> -> memref<10000x128xf32, #tpu.memory_space<vmem_shared>>
      tpu.enqueue_indirect_dma source(%arg7 : memref<125x128xf32, #tpu.memory_space<vmem>>) target(%dma_start3A_86 : memref<10000x128xf32, #tpu.memory_space<vmem_shared>>) offsets(%dma_start3A_83 : memref<125xi32, #tpu.memory_space<vmem>>) semaphore(%arg12 : memref<!tpu.dma_semaphore, #tpu.memory_space<semaphore_mem>>) {add = true}
      %dma_wait3A_87 = arith.constant 0 : i32
      %dma_wait3A_88 = tpu.memref_slice %arg6[%add3A_75, %dma_wait3A_87] : memref<40x125xi32, #tpu.memory_space<vmem>> -> memref<1x125xi32, #tpu.memory_space<vmem>>
      %dma_wait3A_89 = tpu.memref_squeeze %dma_wait3A_88 : memref<1x125xi32, #tpu.memory_space<vmem>> -> memref<125xi32, #tpu.memory_space<vmem>>
      %dma_wait3A_90 = arith.constant 0 : i32
      %dma_wait3A_91 = arith.constant 0 : i32
      %dma_wait3A_92 = tpu.memref_slice %arg9[%dma_wait3A_90, %dma_wait3A_91] : memref<10000x128xf32, #tpu.memory_space<vmem_shared>> -> memref<10000x128xf32, #tpu.memory_space<vmem_shared>>
      tpu.wait_indirect_dma semaphore(%arg12 : memref<!tpu.dma_semaphore, #tpu.memory_space<semaphore_mem>>) src(%arg7 : memref<125x128xf32, #tpu.memory_space<vmem>>) dst(%dma_wait3A_92 : memref<10000x128xf32, #tpu.memory_space<vmem_shared>>)
      %add3A_93 = arith.constant 2 : i32
      %add3A_94 = arith.addi %add3A_75, %add3A_93 : i32
      %lt3A = arith.constant 40 : i32
      %lt3A_95 = arith.cmpi slt, %add3A_94, %lt3A : i32
      %convert_element_type3A = arith.extui %lt3A_95 : i1 to i32
      %cond3A = arith.constant 0 : i32
      %cond3A_96 = arith.cmpi ne, %convert_element_type3A, %cond3A : i32
      scf.if %cond3A_96 {
        %add3A_128 = arith.constant 2 : i32
        %add3A_129 = arith.addi %add3A_75, %add3A_128 : i32
        %dma_start3A_130 = arith.constant 0 : i32
        %dma_start3A_131 = tpu.memref_slice %arg5[%add3A_129, %dma_start3A_130] : memref<40x125xi32, #tpu.memory_space<vmem>> -> memref<1x125xi32, #tpu.memory_space<vmem>>
        %dma_start3A_132 = tpu.memref_squeeze %dma_start3A_131 : memref<1x125xi32, #tpu.memory_space<vmem>> -> memref<125xi32, #tpu.memory_space<vmem>>
        %dma_start3A_133 = arith.constant 0 : i32
        %dma_start3A_134 = arith.constant 0 : i32
        %dma_start3A_135 = tpu.memref_slice %arg2[%dma_start3A_133, %dma_start3A_134] : memref<10000x128xf32, #tpu.memory_space<hbm>> -> memref<10000x128xf32, #tpu.memory_space<hbm>>
        tpu.enqueue_indirect_dma source(%dma_start3A_135 : memref<10000x128xf32, #tpu.memory_space<hbm>>) target(%arg7 : memref<125x128xf32, #tpu.memory_space<vmem>>) offsets(%dma_start3A_132 : memref<125xi32, #tpu.memory_space<vmem>>) semaphore(%arg10 : memref<!tpu.dma_semaphore, #tpu.memory_space<semaphore_mem>>)
      } else {
      }
      %add3A_97 = arith.constant 1 : i32
      %add3A_98 = arith.addi %add3A_75, %add3A_97 : i32
      %dma_wait3A_99 = arith.constant 0 : i32
      %dma_wait3A_100 = tpu.memref_slice %arg5[%add3A_98, %dma_wait3A_99] : memref<40x125xi32, #tpu.memory_space<vmem>> -> memref<1x125xi32, #tpu.memory_space<vmem>>
      %dma_wait3A_101 = tpu.memref_squeeze %dma_wait3A_100 : memref<1x125xi32, #tpu.memory_space<vmem>> -> memref<125xi32, #tpu.memory_space<vmem>>
      %dma_wait3A_102 = arith.constant 0 : i32
      %dma_wait3A_103 = arith.constant 0 : i32
      %dma_wait3A_104 = tpu.memref_slice %arg2[%dma_wait3A_102, %dma_wait3A_103] : memref<10000x128xf32, #tpu.memory_space<hbm>> -> memref<10000x128xf32, #tpu.memory_space<hbm>>
      tpu.wait_indirect_dma semaphore(%arg11 : memref<!tpu.dma_semaphore, #tpu.memory_space<semaphore_mem>>) src(%dma_wait3A_104 : memref<10000x128xf32, #tpu.memory_space<hbm>>) dst(%arg8 : memref<125x128xf32, #tpu.memory_space<vmem>>)
      %add3A_105 = arith.constant 1 : i32
      %add3A_106 = arith.addi %add3A_75, %add3A_105 : i32
      %dma_start3A_107 = arith.constant 0 : i32
      %dma_start3A_108 = tpu.memref_slice %arg6[%add3A_106, %dma_start3A_107] : memref<40x125xi32, #tpu.memory_space<vmem>> -> memref<1x125xi32, #tpu.memory_space<vmem>>
      %dma_start3A_109 = tpu.memref_squeeze %dma_start3A_108 : memref<1x125xi32, #tpu.memory_space<vmem>> -> memref<125xi32, #tpu.memory_space<vmem>>
      %dma_start3A_110 = arith.constant 0 : i32
      %dma_start3A_111 = arith.constant 0 : i32
      %dma_start3A_112 = tpu.memref_slice %arg9[%dma_start3A_110, %dma_start3A_111] : memref<10000x128xf32, #tpu.memory_space<vmem_shared>> -> memref<10000x128xf32, #tpu.memory_space<vmem_shared>>
      tpu.enqueue_indirect_dma source(%arg8 : memref<125x128xf32, #tpu.memory_space<vmem>>) target(%dma_start3A_112 : memref<10000x128xf32, #tpu.memory_space<vmem_shared>>) offsets(%dma_start3A_109 : memref<125xi32, #tpu.memory_space<vmem>>) semaphore(%arg13 : memref<!tpu.dma_semaphore, #tpu.memory_space<semaphore_mem>>) {add = true}
      %add3A_113 = arith.constant 1 : i32
      %add3A_114 = arith.addi %add3A_75, %add3A_113 : i32
      %dma_wait3A_115 = arith.constant 0 : i32
      %dma_wait3A_116 = tpu.memref_slice %arg6[%add3A_114, %dma_wait3A_115] : memref<40x125xi32, #tpu.memory_space<vmem>> -> memref<1x125xi32, #tpu.memory_space<vmem>>
      %dma_wait3A_117 = tpu.memref_squeeze %dma_wait3A_116 : memref<1x125xi32, #tpu.memory_space<vmem>> -> memref<125xi32, #tpu.memory_space<vmem>>
      %dma_wait3A_118 = arith.constant 0 : i32
      %dma_wait3A_119 = arith.constant 0 : i32
      %dma_wait3A_120 = tpu.memref_slice %arg9[%dma_wait3A_118, %dma_wait3A_119] : memref<10000x128xf32, #tpu.memory_space<vmem_shared>> -> memref<10000x128xf32, #tpu.memory_space<vmem_shared>>
      tpu.wait_indirect_dma semaphore(%arg13 : memref<!tpu.dma_semaphore, #tpu.memory_space<semaphore_mem>>) src(%arg8 : memref<125x128xf32, #tpu.memory_space<vmem>>) dst(%dma_wait3A_120 : memref<10000x128xf32, #tpu.memory_space<vmem_shared>>)
      %add3A_121 = arith.constant 3 : i32
      %add3A_122 = arith.addi %add3A_75, %add3A_121 : i32
      %lt3A_123 = arith.constant 40 : i32
      %lt3A_124 = arith.cmpi slt, %add3A_122, %lt3A_123 : i32
      %convert_element_type3A_125 = arith.extui %lt3A_124 : i1 to i32
      %cond3A_126 = arith.constant 0 : i32
      %cond3A_127 = arith.cmpi ne, %convert_element_type3A_125, %cond3A_126 : i32
      scf.if %cond3A_127 {
        %add3A_128 = arith.constant 3 : i32
        %add3A_129 = arith.addi %add3A_75, %add3A_128 : i32
        %dma_start3A_130 = arith.constant 0 : i32
        %dma_start3A_131 = tpu.memref_slice %arg5[%add3A_129, %dma_start3A_130] : memref<40x125xi32, #tpu.memory_space<vmem>> -> memref<1x125xi32, #tpu.memory_space<vmem>>
        %dma_start3A_132 = tpu.memref_squeeze %dma_start3A_131 : memref<1x125xi32, #tpu.memory_space<vmem>> -> memref<125xi32, #tpu.memory_space<vmem>>
        %dma_start3A_133 = arith.constant 0 : i32
        %dma_start3A_134 = arith.constant 0 : i32
        %dma_start3A_135 = tpu.memref_slice %arg2[%dma_start3A_133, %dma_start3A_134] : memref<10000x128xf32, #tpu.memory_space<hbm>> -> memref<10000x128xf32, #tpu.memory_space<hbm>>
        tpu.enqueue_indirect_dma source(%dma_start3A_135 : memref<10000x128xf32, #tpu.memory_space<hbm>>) target(%arg8 : memref<125x128xf32, #tpu.memory_space<vmem>>) offsets(%dma_start3A_132 : memref<125xi32, #tpu.memory_space<vmem>>) semaphore(%arg11 : memref<!tpu.dma_semaphore, #tpu.memory_space<semaphore_mem>>)
      } else {
      }
    }
    %scan3A_65 = arith.constant 20 : i32
    %barrier3A_66 = arith.constant 0 : index
    tpu.barrier barrier_id(%barrier3A_66)
    %mul3A_67 = arith.constant 625 : i32
    %mul3A_68 = arith.muli %arg1, %mul3A_67 : i32
    %mul3A_69 = arith.constant 625 : i32
    %mul3A_70 = arith.muli %arg1, %mul3A_69 : i32
    "tpu.region"() ({
      %run_scoped3A_71 = tpu.sem_alloc : memref<!tpu.dma_semaphore, #tpu.memory_space<semaphore_mem>>
      %dma_start3A_72 = arith.constant 0 : i32
      %dma_start3A_73 = tpu.memref_slice %arg4[%arg0, %mul3A_70, %dma_start3A_72] : memref<2x10000x128xf32, #tpu.memory_space<hbm>> -> memref<1x625x128xf32, #tpu.memory_space<hbm>>
      %dma_start3A_74 = tpu.memref_squeeze %dma_start3A_73 : memref<1x625x128xf32, #tpu.memory_space<hbm>> -> memref<625x128xf32, #tpu.memory_space<hbm>>
      %dma_start3A_75 = arith.constant 0 : i32
      %dma_start3A_76 = tpu.memref_slice %arg9[%mul3A_68, %dma_start3A_75] : memref<10000x128xf32, #tpu.memory_space<vmem_shared>> -> memref<625x128xf32, #tpu.memory_space<vmem_shared>>
      tpu.enqueue_dma source(%dma_start3A_76 : memref<625x128xf32, #tpu.memory_space<vmem_shared>>) target(%dma_start3A_74 : memref<625x128xf32, #tpu.memory_space<hbm>>) target_semaphore(%run_scoped3A_71 : memref<!tpu.dma_semaphore, #tpu.memory_space<semaphore_mem>>)
      %dma_wait3A = arith.constant 0 : i32
      %dma_wait3A_77 = tpu.memref_slice %arg4[%arg0, %mul3A_70, %dma_wait3A] : memref<2x10000x128xf32, #tpu.memory_space<hbm>> -> memref<1x625x128xf32, #tpu.memory_space<hbm>>
      %dma_wait3A_78 = tpu.memref_squeeze %dma_wait3A_77 : memref<1x625x128xf32, #tpu.memory_space<hbm>> -> memref<625x128xf32, #tpu.memory_space<hbm>>
      %dma_wait3A_79 = arith.constant 0 : i32
      %dma_wait3A_80 = tpu.memref_slice %arg9[%mul3A_68, %dma_wait3A_79] : memref<10000x128xf32, #tpu.memory_space<vmem_shared>> -> memref<625x128xf32, #tpu.memory_space<vmem_shared>>
      tpu.wait_dma2 semaphore(%run_scoped3A_71 : memref<!tpu.dma_semaphore, #tpu.memory_space<semaphore_mem>>) src(%dma_wait3A_80 : memref<625x128xf32, #tpu.memory_space<vmem_shared>>) dst(%dma_wait3A_78 : memref<625x128xf32, #tpu.memory_space<hbm>>)
      tpu.yield
    }) : () -> ()
    return
  }
}

module attributes {stable_mosaic.version = 14 : i64} {
  func.func @_scale_body(%arg0: i32, %arg1: memref<2000x128xf32, #tpu.memory_space<vmem>>, %arg2: memref<2x5x125x16xf32, #tpu.memory_space<vmem>>, %arg3: memref<2000x128xf32, #tpu.memory_space<vmem>>) attributes {dimension_semantics = [#tpu.dimension_semantics<arbitrary>], iteration_bounds = array<i64: 5>, scalar_prefetch = 0 : i64, scratch_operands = 0 : i64, tpu.core_type = #tpu.core_type<tc>, window_params = [{transform_indices = @transform_0, window_bounds = array<i64: 2000, 128>}, {pipeline_mode = #tpu.pipeline_mode<synchronous>, transform_indices = @transform_1, window_bounds = array<i64: 2, 5, 125, 16>}, {transform_indices = @transform_2, window_bounds = array<i64: 2000, 128>}]} {
    %get3A = arith.constant 0 : index
    %get3A_0 = arith.index_cast %arg0 : i32 to index
    %get3A_1 = arith.constant 0 : index
    %get3A_2 = arith.constant 0 : index
    %get3A_3 = vector.load %arg2[%get3A, %get3A_0, %get3A_1, %get3A_2] : memref<2x5x125x16xf32, #tpu.memory_space<vmem>>, vector<1x1x125x16xf32>
    %get3A_4 = vector.shape_cast %get3A_3 : vector<1x1x125x16xf32> to vector<125x16xf32>
    %get3A_5 = arith.constant 1 : index
    %get3A_6 = arith.index_cast %arg0 : i32 to index
    %get3A_7 = arith.constant 0 : index
    %get3A_8 = arith.constant 0 : index
    %get3A_9 = vector.load %arg2[%get3A_5, %get3A_6, %get3A_7, %get3A_8] : memref<2x5x125x16xf32, #tpu.memory_space<vmem>>, vector<1x1x125x16xf32>
    %get3A_10 = vector.shape_cast %get3A_9 : vector<1x1x125x16xf32> to vector<125x16xf32>
    %add3A = arith.addf %get3A_4, %get3A_10 : vector<125x16xf32>
    %add3A_11 = arith.constant 1.000000e+00 : f32
    %add3A_12 = vector.broadcast %add3A_11 : f32 to vector<125x16xf32>
    %add3A_13 = arith.addf %add3A, %add3A_12 : vector<125x16xf32>
    %rsqrt3A = math.rsqrt %add3A_13 : vector<125x16xf32>
    %get3A_14 = arith.constant 0 : index
    %get3A_15 = arith.constant 0 : index
    %get3A_16 = vector.load %arg1[%get3A_14, %get3A_15] : memref<2000x128xf32, #tpu.memory_space<vmem>>, vector<2000x128xf32>
    %reshape3A = vector.shape_cast %get3A_16 : vector<2000x128xf32> to vector<125x16x128xf32>
    %broadcast_in_dim3A = vector.shape_cast %rsqrt3A : vector<125x16xf32> to vector<125x16x1xf32>
    %mul3A = vector.broadcast %broadcast_in_dim3A : vector<125x16x1xf32> to vector<125x16x128xf32>
    %mul3A_17 = arith.mulf %reshape3A, %mul3A : vector<125x16x128xf32>
    %reshape3A_18 = vector.shape_cast %mul3A_17 : vector<125x16x128xf32> to vector<2000x128xf32>
    %swap3A = arith.constant 0 : index
    %swap3A_19 = arith.constant 0 : index
    %swap3A_20 = vector.load %arg3[%swap3A, %swap3A_19] : memref<2000x128xf32, #tpu.memory_space<vmem>>, vector<2000x128xf32>
    tpu.vector_store %arg3[%swap3A, %swap3A_19], %reshape3A_18 {strides = array<i32>} : memref<2000x128xf32, #tpu.memory_space<vmem>>, vector<2000x128xf32>,
    return
  }
  func.func @transform_0(%arg0: i32) -> (i32, i32) {
    %c0_i32 = arith.constant 0 : i32
    %c0_i32_0 = arith.constant 0 : i32
    return %arg0, %c0_i32 : i32, i32
  }
  func.func @transform_1(%arg0: i32) -> (i32, i32, i32, i32) {
    %c0_i32 = arith.constant 0 : i32
    %c0_i32_0 = arith.constant 0 : i32
    %c0_i32_1 = arith.constant 0 : i32
    %c0_i32_2 = arith.constant 0 : i32
    %c0_i32_3 = arith.constant 0 : i32
    return %c0_i32, %c0_i32_0, %c0_i32_1, %c0_i32_2 : i32, i32, i32, i32
  }
  func.func @transform_2(%arg0: i32) -> (i32, i32) {
    %c0_i32 = arith.constant 0 : i32
    %c0_i32_0 = arith.constant 0 : i32
    return %arg0, %c0_i32 : i32, i32
  }
}

module attributes {stable_mosaic.version = 14 : i64} {
  func.func @_fin_body(%arg0: i32, %arg1: memref<2x2000x128xf32, #tpu.memory_space<vmem>>, %arg2: memref<2000x128xf32, #tpu.memory_space<vmem>>, %arg3: memref<2x5x125x16xf32, #tpu.memory_space<vmem>>, %arg4: memref<128x128xf32, #tpu.memory_space<vmem>>, %arg5: memref<1x128xf32, #tpu.memory_space<vmem>>, %arg6: memref<2000x128xf32, #tpu.memory_space<vmem>>) attributes {dimension_semantics = [#tpu.dimension_semantics<arbitrary>], iteration_bounds = array<i64: 5>, scalar_prefetch = 0 : i64, scratch_operands = 0 : i64, tpu.core_type = #tpu.core_type<tc>, window_params = [{transform_indices = @transform_0, window_bounds = array<i64: 2, 2000, 128>}, {transform_indices = @transform_1, window_bounds = array<i64: 2000, 128>}, {pipeline_mode = #tpu.pipeline_mode<synchronous>, transform_indices = @transform_2, window_bounds = array<i64: 2, 5, 125, 16>}, {pipeline_mode = #tpu.pipeline_mode<synchronous>, transform_indices = @transform_3, window_bounds = array<i64: 128, 128>}, {pipeline_mode = #tpu.pipeline_mode<synchronous>, transform_indices = @transform_4, window_bounds = array<i64: 1, 128>}, {transform_indices = @transform_5, window_bounds = array<i64: 2000, 128>}]} {
    %get3A = arith.constant 0 : index
    %get3A_0 = arith.index_cast %arg0 : i32 to index
    %get3A_1 = arith.constant 0 : index
    %get3A_2 = arith.constant 0 : index
    %get3A_3 = vector.load %arg3[%get3A, %get3A_0, %get3A_1, %get3A_2] : memref<2x5x125x16xf32, #tpu.memory_space<vmem>>, vector<1x1x125x16xf32>
    %get3A_4 = vector.shape_cast %get3A_3 : vector<1x1x125x16xf32> to vector<125x16xf32>
    %get3A_5 = arith.constant 1 : index
    %get3A_6 = arith.index_cast %arg0 : i32 to index
    %get3A_7 = arith.constant 0 : index
    %get3A_8 = arith.constant 0 : index
    %get3A_9 = vector.load %arg3[%get3A_5, %get3A_6, %get3A_7, %get3A_8] : memref<2x5x125x16xf32, #tpu.memory_space<vmem>>, vector<1x1x125x16xf32>
    %get3A_10 = vector.shape_cast %get3A_9 : vector<1x1x125x16xf32> to vector<125x16xf32>
    %add3A = arith.addf %get3A_4, %get3A_10 : vector<125x16xf32>
    %add3A_11 = arith.constant 1.000000e+00 : f32
    %add3A_12 = vector.broadcast %add3A_11 : f32 to vector<125x16xf32>
    %add3A_13 = arith.addf %add3A, %add3A_12 : vector<125x16xf32>
    %rsqrt3A = math.rsqrt %add3A_13 : vector<125x16xf32>
    %get3A_14 = arith.constant 0 : index
    %get3A_15 = arith.constant 0 : index
    %get3A_16 = arith.constant 0 : index
    %get3A_17 = vector.load %arg1[%get3A_14, %get3A_15, %get3A_16] : memref<2x2000x128xf32, #tpu.memory_space<vmem>>, vector<1x2000x128xf32>
    %get3A_18 = vector.shape_cast %get3A_17 : vector<1x2000x128xf32> to vector<2000x128xf32>
    %get3A_19 = arith.constant 1 : index
    %get3A_20 = arith.constant 0 : index
    %get3A_21 = arith.constant 0 : index
    %get3A_22 = vector.load %arg1[%get3A_19, %get3A_20, %get3A_21] : memref<2x2000x128xf32, #tpu.memory_space<vmem>>, vector<1x2000x128xf32>
    %get3A_23 = vector.shape_cast %get3A_22 : vector<1x2000x128xf32> to vector<2000x128xf32>
    %add3A_24 = arith.addf %get3A_18, %get3A_23 : vector<2000x128xf32>
    %get3A_25 = arith.constant 0 : index
    %get3A_26 = arith.constant 0 : index
    %get3A_27 = vector.load %arg2[%get3A_25, %get3A_26] : memref<2000x128xf32, #tpu.memory_space<vmem>>, vector<2000x128xf32>
    %add3A_28 = arith.addf %add3A_24, %get3A_27 : vector<2000x128xf32>
    %reshape3A = vector.shape_cast %add3A_28 : vector<2000x128xf32> to vector<125x16x128xf32>
    %broadcast_in_dim3A = vector.shape_cast %rsqrt3A : vector<125x16xf32> to vector<125x16x1xf32>
    %mul3A = vector.broadcast %broadcast_in_dim3A : vector<125x16x1xf32> to vector<125x16x128xf32>
    %mul3A_29 = arith.mulf %reshape3A, %mul3A : vector<125x16x128xf32>
    %reshape3A_30 = vector.shape_cast %mul3A_29 : vector<125x16x128xf32> to vector<2000x128xf32>
    %get3A_31 = arith.constant 0 : index
    %get3A_32 = arith.constant 0 : index
    %get3A_33 = vector.load %arg4[%get3A_31, %get3A_32] : memref<128x128xf32, #tpu.memory_space<vmem>>, vector<128x128xf32>
    %dot_general3A = arith.constant dense<0.000000e+00> : vector<2000x128xf32>
    %dot_general3A_34 = tpu.matmul %reshape3A_30, %get3A_33, %dot_general3A {dimension_numbers = #tpu.dot_dimension_numbers<[1], [0], [0], [1], [0, 0, 1, 1], [], []>, transpose_lhs_hint = false} : vector<2000x128xf32>, vector<128x128xf32>, vector<2000x128xf32> -> vector<2000x128xf32>
    %get3A_35 = arith.constant 0 : index
    %get3A_36 = arith.constant 0 : index
    %get3A_37 = vector.load %arg5[%get3A_35, %get3A_36] : memref<1x128xf32, #tpu.memory_space<vmem>>, vector<1x128xf32>
    %add3A_38 = vector.broadcast %get3A_37 : vector<1x128xf32> to vector<2000x128xf32>
    %add3A_39 = arith.addf %dot_general3A_34, %add3A_38 : vector<2000x128xf32>
    %max3A = arith.constant 0.000000e+00 : f32
    %max3A_40 = vector.broadcast %max3A : f32 to vector<2000x128xf32>
    %max3A_41 = arith.maximumf %add3A_39, %max3A_40 : vector<2000x128xf32>
    %swap3A = arith.constant 0 : index
    %swap3A_42 = arith.constant 0 : index
    %swap3A_43 = vector.load %arg6[%swap3A, %swap3A_42] : memref<2000x128xf32, #tpu.memory_space<vmem>>, vector<2000x128xf32>
    tpu.vector_store %arg6[%swap3A, %swap3A_42], %max3A_41 {strides = array<i32>} : memref<2000x128xf32, #tpu.memory_space<vmem>>, vector<2000x128xf32>,
    return
  }
  func.func @transform_0(%arg0: i32) -> (i32, i32, i32) {
    %c0_i32 = arith.constant 0 : i32
    %c0_i32_0 = arith.constant 0 : i32
    %c0_i32_1 = arith.constant 0 : i32
    return %c0_i32, %arg0, %c0_i32_0 : i32, i32, i32
  }
  func.func @transform_1(%arg0: i32) -> (i32, i32) {
    %c0_i32 = arith.constant 0 : i32
    %c0_i32_0 = arith.constant 0 : i32
    return %arg0, %c0_i32 : i32, i32
  }
  func.func @transform_2(%arg0: i32) -> (i32, i32, i32, i32) {
    %c0_i32 = arith.constant 0 : i32
    %c0_i32_0 = arith.constant 0 : i32
    %c0_i32_1 = arith.constant 0 : i32
    %c0_i32_2 = arith.constant 0 : i32
    %c0_i32_3 = arith.constant 0 : i32
    return %c0_i32, %c0_i32_0, %c0_i32_1, %c0_i32_2 : i32, i32, i32, i32
  }
  func.func @transform_3(%arg0: i32) -> (i32, i32) {
    %c0_i32 = arith.constant 0 : i32
    %c0_i32_0 = arith.constant 0 : i32
    %c0_i32_1 = arith.constant 0 : i32
    return %c0_i32, %c0_i32_0 : i32, i32
  }
  func.func @transform_4(%arg0: i32) -> (i32, i32) {
    %c0_i32 = arith.constant 0 : i32
    %c0_i32_0 = arith.constant 0 : i32
    %c0_i32_1 = arith.constant 0 : i32
    return %c0_i32, %c0_i32_0 : i32, i32
  }
  func.func @transform_5(%arg0: i32) -> (i32, i32) {
    %c0_i32 = arith.constant 0 : i32
    %c0_i32_0 = arith.constant 0 : i32
    return %arg0, %c0_i32 : i32, i32
  }
}

</mosaic_0001>

<sc_bundles>
// kernel: kernel.6.cloned.1.call-start
scs
__scs_entry_jumppad:
0x0: {  	(pc) =	sbr.rel $0x88, $3  }
0x1: {  	(tag) =	ssettag $0x0;
	lr =	simm.s32 $0x1  }
0x2: {  	[smem:$0x3F9D] =	sst lr;
	_ =	strace $0xD0000000  }
0x3: {  	_ = 	snop  }
0x4: {  	_ = 	snop  }
0x5: {  	_ = 	snop  }
0x6: {  	_ = 	snop  }
0x7: {  	_ = 	snop  }
__scs_overlays_trampoline_lowered:
0x8: {  	[smem:$0x3FAC] =	sst s0  }
0x9: {  	[smem:$0x3FAD] =	sst s1  }
0xa: {  	[smem:$0x3FAE] =	sst s2  }
0xb: {  	[smem:$0x3FAF] =	sst s3  }
0xc: {  	[smem:$0x3FB0] =	sst s4  }
0xd: {  	[smem:$0x3FB1] =	sst s5  }
0xe: {  	[smem:$0x3FB2] =	sst s6  }
0xf: {  	[smem:$0x3FB3] =	sst s7  }
0x10: {  	[smem:$0x3FB4] =	sst s8  }
0x11: {  	[smem:$0x3FB5] =	sst s9;
	s0 =	simm.s32 @!p0 $0x0  }
0x12: {  	s1 =	sld [smem:$0x3F9B];
	s0 =	simm.s32 @p0 $0x1  }
0x13: {  	[smem:$0x3FB6] =	sst s0;
	s0 =	simm.s32 @!p1 $0x0  }
0x14: {  	s2 =	sld [smem:$0x3F9A];
	s0 =	simm.s32 @p1 $0x1  }
0x15: {  	[smem:$0x3FB7] =	sst s0;
	s0 =	simm.s32 @!p2 $0x0  }
0x16: {  	s3 =	sld [smem:$0x3FDB];
	s0 =	simm.s32 @p2 $0x1  }
0x17: {  	s4 =	simm.s32 $0x1BF5;
	[smem:$0x3FB9] =	sst s0  }
0x18: {  	s0 =	sld [smem:$0x3F9C];
	_ =	swait.ge [sflag:s4], $0x0  }
0x19: {  	s7 =	sld [smem:$0x3F9D]  }
0x1a: {  	s8 =	sadd.s32 $0xFFFFE003, lr  }
0x1b: {  	s9 =	sadd.s32 $0xFFFFFEF7, lr;
	s5 =	simm.s32 $0xFFFFFFFF;
	p2 =	slt.u32 s8, $0xFFFFF086  }
0x1c: {  	p1 =	slt.u32 s9, $0xF7A;
	s5 =	simm.s32 @!p2 $0x0  }
0x1d: {  	s5 =	simm.s32 @p1 $0x1;
	p0 =	seq.s32 s7, s2  }
0x1e: {  	s7 =	smul.u32 @!p0 $0xF7A, s2;
	p2 =	seq.s32 @!p0 s5, $0x0  }
0x1f: {  	s9 =	smul.u32 $0xF7A, s1;
	s8 =	simm.s32 @!p0 $0x1BF5;
	p2 =	por !p2, p0  }
0x20: {  	[sflag:s8] =	ssyncset.s32 @!p0 $0xFFFFF086;
	s6 =	sadd.s32 @!p0 s3, s7;
	s7 =	simm.s32 @!p0 $0x108  }
0x21: {  	s3 =	sadd.s32 s3, s9;
	s6 =	sadd.s32 @!p0 $0x88, s6;
	s7 =	simm.s32 @p2 $0x1082  }
0x22: {  	[simem:s7], [sflag:s8] =	dma.local @!p0 [hbm:s6], $0xF7A  }
0x23: {  	s9 =	sor.u32 $0xD0000000, s2;
	s6 =	simm.s32 $0x108;
	_ =	swait.ge @!p0 [sflag:s8], $0x0  }
0x24: {  	s3 =	sadd.s32 $0x88, s3;
	s6 =	simm.s32 @!p1 $0x1082;
	[sflag:s4] =	ssyncset.s32 $0xFFFFF086  }
0x25: {  	[simem:s6], [sflag:s4] =	dma.local [hbm:s3], $0xF7A  }
0x26: {  	[smem:$0x3F9D] =	sst s1;
	(tag) =	ssettag s2;
	_ =	strace s9  }
0x27: {  	s1 =	sld [smem:$0x3FAD]  }
0x28: {  	s2 =	sld [smem:$0x3FAE]  }
0x29: {  	s4 =	sld [smem:$0x3FB0]  }
0x2a: {  	p0 =	seq.s32 s5, $0x0;
	s5 =	sld [smem:$0x3FB1]  }
0x2b: {  	s6 =	sld [smem:$0x3FB2]  }
0x2c: {  	s7 =	sld [smem:$0x3FB3]  }
0x2d: {  	s3 =	simm.s32 $0x108;
	s8 =	sld [smem:$0x3FB4]  }
0x2e: {  	s3 =	simm.s32 @!p0 $0x1082;
	s9 =	sld [smem:$0x3FB5]  }
0x2f: {  	lr =	sadd.s32 s0, s3;
	s0 =	sld [smem:$0x3FAC]  }
0x30: {  	s3 =	sld [smem:$0x3FAF]  }
0x31: {  	[smem:$0x3FB8] =	sst s10  }
0x32: {  	s10 =	sld [smem:$0x3FB6];
	_ =	sdelay $0x3  }
0x33: {  	p0 =	seq.s32 s10, $0x1;
	s10 =	sld [smem:$0x3FB8];
	_ =	sdelay $0x3  }
0x34: {  	[smem:$0x3FB8] =	sst s10  }
0x35: {  	s10 =	sld [smem:$0x3FB7];
	_ =	sdelay $0x3  }
0x36: {  	p1 =	seq.s32 s10, $0x1;
	s10 =	sld [smem:$0x3FB8];
	_ =	sdelay $0x3  }
0x37: {  	[smem:$0x3FB8] =	sst s10  }
0x38: {  	s10 =	sld [smem:$0x3FB9]  }
0x39: {  	_ = 	snop;
	(pc) =	sbr.ind lr, $3  }
0x3a: {  	_ = 	snop  }
0x3b: {  	_ = 	snop  }
0x3c: {  	p2 =	seq.s32 s10, $0x1;
	s10 =	sld [smem:$0x3FB8]  }
0x3d: {  	_ =	shalt  }
0x3e: {  	_ =	shalt  }
0x3f: {  	_ =	shalt  }
0x40: {  	_ =	shalt  }
0x41: {  	_ =	shalt  }
0x42: {  	_ =	shalt  }
0x43: {  	_ =	shalt  }
0x44: {  	_ =	shalt  }
0x45: {  	_ =	shalt  }
0x46: {  	_ =	shalt  }
0x47: {  	_ =	shalt  }
0x48: {  	_ =	shalt  }
0x49: {  	_ =	shalt  }
0x4a: {  	_ =	shalt  }
0x4b: {  	_ =	shalt  }
0x4c: {  	_ =	shalt  }
0x4d: {  	_ =	shalt  }
0x4e: {  	_ =	shalt  }
0x4f: {  	_ =	shalt  }
0x50: {  	_ =	shalt  }
0x51: {  	_ =	shalt  }
0x52: {  	_ =	shalt  }
0x53: {  	_ =	shalt  }
0x54: {  	_ =	shalt  }
0x55: {  	_ =	shalt  }
0x56: {  	_ =	shalt  }
0x57: {  	_ =	shalt  }
0x58: {  	_ =	shalt  }
0x59: {  	_ =	shalt  }
0x5a: {  	_ =	shalt  }
0x5b: {  	_ =	shalt  }
0x5c: {  	_ =	shalt  }
0x5d: {  	_ =	shalt  }
0x5e: {  	_ =	shalt  }
0x5f: {  	_ =	shalt  }
0x60: {  	_ =	shalt  }
0x61: {  	_ =	shalt  }
0x62: {  	_ =	shalt  }
0x63: {  	_ =	shalt  }
0x64: {  	_ =	shalt  }
0x65: {  	_ =	shalt  }
0x66: {  	_ =	shalt  }
0x67: {  	_ =	shalt  }
0x68: {  	_ =	shalt  }
0x69: {  	_ =	shalt  }
0x6a: {  	_ =	shalt  }
0x6b: {  	_ =	shalt  }
0x6c: {  	_ =	shalt  }
0x6d: {  	_ =	shalt  }
0x6e: {  	_ =	shalt  }
0x6f: {  	_ =	shalt  }
0x70: {  	_ =	shalt  }
0x71: {  	_ =	shalt  }
0x72: {  	_ =	shalt  }
0x73: {  	_ =	shalt  }
0x74: {  	_ =	shalt  }
0x75: {  	_ =	shalt  }
0x76: {  	_ =	shalt  }
0x77: {  	_ =	shalt  }
0x78: {  	_ =	shalt  }
0x79: {  	_ =	shalt  }
0x7a: {  	_ =	shalt  }
0x7b: {  	_ =	shalt  }
0x7c: {  	_ =	shalt  }
0x7d: {  	_ =	shalt  }
0x7e: {  	_ =	shalt  }
0x7f: {  	_ =	shalt  }
0x80: {  	_ =	shalt  }
0x81: {  	_ =	shalt  }
0x82: {  	_ =	shalt  }
0x83: {  	_ =	shalt  }
0x84: {  	_ =	shalt  }
0x85: {  	_ =	shalt  }
0x86: {  	_ =	shalt  }
0x87: {  	_ =	shalt  }
.Lfunc_end0:
.L_simem_size_0:
called_computation_lowered:
.L_overlay_start_0:
0x88: {  	s2 =	sld [smem:$0x3FD9]  }
0x89: {  	s3 =	sld [smem:$0x3FFE];
	_ =	sdelay $0x1  }
0x8a: {  	s1 =	srdreg.scid  }
0x8b: {  	s0 =	sand.u32 $0x1, s1  }
0x8c: {  	s17 =	sshll.u32 s0, $0xA;
	s2 =	sadd.s32 s3, s2  }
0x8d: {  	s2 =	sadd.s32 s2, s17  }
0x8e: {  	[smem:$0x3FC4] =	sst s2  }
0x8f: {  	_ = 	snop  }
0x90: {  	s2 =	sld [smem:$0x3FD0];
	(tm) =	ssettm $0x1  }
0x91: {  	s18 =	sld [smem:$0x3FFB];
	_ =	sdelay $0x3  }
0x92: {  	_ =	strace s18  }
0x93: {  	s3 =	sld [smem:$0x3FFC];
	_ =	sdelay $0x3  }
0x94: {  	_ =	strace s3  }
0x95: {  	s3 =	sld [smem:$0x3FFD];
	_ =	sdelay $0x3  }
0x96: {  	_ =	strace s3  }
0x97: {  	_ =	strace $0x8FFFFFFF  }
0x98: {  	s19 =	sld [smem:$0x3FDB];
	_ =	sdelay $0x1  }
0x99: {  	s4 =	simm.s32 $_scs_section_size  }
0x9a: {  	s5 =	simm.s32 $_size__tile_overlayer_lowered;
	s6 =	simm.s32 $_tile_overlayer_lowered  }
0x9b: {  	s22 =	simm.s32 $0x1BFF;
	s21 =	sshll.u32 s6, $0x1;
	s3 =	sadd.s32 s4, s19  }
0x9c: {  	s7 =	simm.s32 $0x0;
	s20 =	sshll.u32 s5, $0x1;
	s5 =	sadd.s32 s21, s3  }
0x9d: {  	[timem:s7], [sflag:s22] =	dma.local [hbm:s5], s20  }
0x9e: {  	_ =	swait.ge [sflag:s22], s20  }
0x9f: {  	s4 =	ssub.s32 $0x0, s20;
	[sflag:s22] =	ssyncset.done $0x0  }
0xa0: {  	[sflag:s22] =	ssyncadd.s32 s4;
	_ =	sdelay $0x1  }
0xa1: {  	s23 =	simm.s32 $0x1B8B  }
0xa2: {  	_ =	swait.ge [sflag:s23], $0x1  }
0xa3: {  	[sflag:s23] =	ssyncset.done $0x0  }
0xa4: {  	s25 =	simm.s32 $0x1B8E;
	s24 =	sld [smem:$0x3FFE];
	[sflag:s23] =	ssyncadd.s32 $0xFFFFFFFF  }
0xa5: {  	s26 =	simm.s32 $execute0_lowered;
	[smem:$0x3FD2] =	sst s25  }
0xa6: {  	s5 =	sshll.u32 s26, $0x1;
	_ =	strace $0x80000046;
	[dreg:$0x1] =	wrdreg $0xFFFFFFFF  }
0xa7: {  	s28 =	simm.s32 $_size_execute0_lowered;
	s3 =	sadd.s32 s3, s5;
	[dreg:$0x0] =	wrdreg $0x0  }
0xa8: {  	s5 =	sshll.u32 s28, $0x1;
	[dreg:$0x2] =	wrdreg s3  }
0xa9: {  	[dreg:$0x3] =	wrdreg s5  }
0xaa: {  	[dreg:$0x4] =	wrdreg $0xC0  }
0xab: {  	_ =	task [dreg:s7], $0x5FFFF  }
0xac: {  	[dreg:$0x1] =	wrdreg $0xFFFFFFFF  }
0xad: {  	[dreg:$0x0] =	wrdreg $0x60  }
0xae: {  	[dreg:$0x2] =	wrdreg s2  }
0xaf: {  	[dreg:$0x3] =	wrdreg s24  }
0xb0: {  	[dreg:$0x4] =	wrdreg $0x51900  }
0xb1: {  	[dreg:$0x5] =	wrdreg $0x9  }
0xb2: {  	_ =	task.clear_ibuf [dreg:s7], $0x6FFFF;
	_ =	strace $0x90000046  }
0xb3: {  	s29 =	simm.s32 $0x9;
	_ =	strace $0x80000048  }
0xb4: {  	_ =	swait.ge [sflag:s29], $0x1  }
0xb5: {  	[sflag:s29] =	ssyncadd.s32 $0xFFFFFFFF  }
0xb6: {  	_ =	strace $0x90000048  }
0xb7: {  	_ =	sfence  }
0xb8: {  	s30 =	sld [smem:$0x0];
	_ =	sdelay $0x2  }
0xb9: {  	s31 =	sshll.u32 s1, $0xD;
	s1 =	sshrl.u32 s1, $0x2  }
0xba: {  	s3 =	sand.u32 $0x4000, s31;
	s1 =	sadd.s32 s1, s30  }
0xbb: {  	s0 =	sor.u32 s3, s0;
	s1 =	sshll.u32 s1, $0x11  }
0xbc: {  	s0 =	sor.u32 s1, s0  }
0xbd: {  	s0 =	sadd.s32 $0x8F2B, s0  }
0xbe: {  	[sflag:s0] =	ssyncadd.remote.s32 $0x1  }
0xbf: {  	_ =	sfence.sel $0xFFFF  }
0xc0: {  	[dreg:$0x0] =	wrdreg $0xFFFFFFFF;
	(pc) =	sbr.abs _section_cstart, $3  }
0xc1: {  	[dreg:$0x1] =	wrdreg $0xFFFFFFFF  }
0xc2: {  	_ =	task.clear_ibuf [dreg:s7], $0x2FFFF;
	_ =	strace $0x9FFFFFFF  }
0xc3: {  	(tm) =	ssettm $0x7FFFFFFF  }
tec
execute0_lowered:
.L_overlay_start_1:
0x0: {  	(tag) =	ssettag $0x1  }
0x1: {  	s4 =	rddreg [dreg:$0x0]  }
0x2: {  	s5 =	rddreg [dreg:$0x1]  }
0x3: {  	s2 =	rddreg [dreg:$0x2];
	s0 =	stileid.u32  }
0x4: {  	s6 =	srdreg.scid;
	s1 =	rddreg [dreg:$0x3]  }
0x5: {  	s3 =	simm.s32 $0x0;
	v0 =	vimm.f32 $0.0e+00;
	v1 =	vlaneseq.u32;
	s12 =	simm.s32 $0x4F90;
	s13 =	simm.s32 $0x2F10  }
0x6: {  	s14 =	simm.s32 $0x5010;
	s15 =	simm.s32 $0x3710;
	s16 =	simm.s32 $0x5090;
	v2 =	vor.u32 $0x10, v1;
	v3 =	vor.u32 $0x20, v1;
	v4 =	vor.u32 $0x30, v1  }
0x7: {  	s17 =	simm.s32 $0x3F10;
	s18 =	simm.s32 $0x5110;
	s19 =	simm.s32 $0x4710;
	v5 =	vor.u32 $0x40, v1;
	v6 =	vor.u32 $0x50, v1;
	v7 =	vor.u32 $0x60, v1  }
0x8: {  	s22 =	simm.s32 $0x0;
	s7 =	smul.u32 $0x28, s0;
	s6 =	sand.u32 $0x1, s6;
	v8 =	vor.u32 $0x70, v1;
	v9 =	vor.u32 $0x80, v1;
	v10 =	vor.u32 $0x90, v1  }
0x9: {  	[smem:$0x7FF] =	sst s3;
	s10 =	smul.u32 $0xA00, s0;
	v11 =	vor.u32 $0xA0, v1;
	v12 =	vor.u32 $0xB0, v1;
	v13 =	vor.u32 $0xC0, v1;
	s20 =	sshll.u32 s0, $0x6  }
0xa: {  	v14 =	vor.u32 $0xD0, v1;
	v15 =	vor.u32 $0xE0, v1;
	v16 =	vor.u32 $0xF0, v1;
	s8 =	smul.u32 $0x2710, s6;
	s9 =	sshll.u32 s6, $0x4;
	_ =	strace $0x80000047  }
0xb: {  	v17 =	vor.u32 $0x100, v1;
	v18 =	vor.u32 $0x110, v1;
	v19 =	vor.u32 $0x120, v1;
	s6 =	ssub.s32 $0x2, s6;
	s20 =	sor.u32 $0x1C01, s20;
	s7 =	smin.u32 s7, $0x249  }
0xc: {  	v20 =	vor.u32 $0x130, v1;
	v21 =	vor.u32 $0x140, v1;
	v22 =	vor.u32 $0x150, v1;
	s9 =	sor.u32 s0, s9;
	s29 =	sshrl.u32 s6, $0x1;
	s30 =	sshrl.u32 s10, $0x2  }
0xd: {  	v23 =	vor.u32 $0x160, v1;
	v24 =	vor.u32 $0x170, v1;
	v25 =	vor.u32 $0x180, v1;
	s10 =	simm.s32 $0x80;
	s7 =	sshll.u32 s7, $0x4;
	s9 =	smul.u32 $0x2710, s9  }
0xe: {  	v26 =	vor.u32 $0x190, v1;
	v27 =	vor.u32 $0x1A0, v1;
	v28 =	vor.u32 $0x1B0, v1;
	s11 =	ssub.s32 s6, s29;
	s8 =	sadd.s32 s8, s7;
	s21 =	sadd.s32 s7, s2  }
0xf: {  	v29 =	vor.u32 $0x1C0, v1;
	v30 =	vor.u32 $0x1D0, v1;
	v31 =	vor.u32 $0x1E0, v1;
	s7 =	smax.u32 s11, $0x1;
	s11 =	simm.s32 $0x4F10;
	s8 =	sshrl.u32 s8, $0x3  }
0x10: {  	v32 =	vor.u32 $0x1F0, v1;
	v33 =	vor.u32 $0x200, v1;
	v34 =	vor.u32 $0x210, v1;
	s9 =	sshrl.u32 s9, $0x3;
	s21 =	sshrl.u32 s21, $0x3;
	s8 =	sadd.s32 s8, s5  }
0x11: {  	v35 =	vor.u32 $0x220, v1;
	v36 =	vor.u32 $0x230, v1;
	v37 =	vor.u32 $0x240, v1;
	s31 =	sadd.s32 s4, s9;
	s4 =	sadd.s32 s30, s2;
	s9 =	simm.s32 $0x1  }
0x12: {  	v38 =	vor.u32 $0x250, v1;
	v39 =	vor.u32 $0x260, v1;
	v40 =	vor.u32 $0x270, v1;
	s5 =	sadd.s32 $0x9C40, s31;
	s6 =	sadd.s32 $0x1C00, s8;
	s8 =	simm.s32 $0x2710  }
.LBB2_1:
0x13: {  	s23 =	simm.s32 $0x40;
	s24 =	simm.s32 $0x0  }
.LBB2_2:
0x14: {  	p0 =	sne.s32 s23, $0x9FC0;
	[tilespmem:s24+$0x2710] =	vst v0;
	s24 =	smov.u32 s23;
	s23 =	sadd.s32 $0x40, s23  }
.Ltmp0:
0x15: {  	(pc) =	sbr.rel @p0 .LBB2_2-.Ltmp0, $2  }
0x16: {  	_ =	sdelay $0x2  }
0x17: {  	s24 =	sshra.s32 s24, $0x2  }
0x18: {  	[tilespmem:s24+$0x2710] =	vst v0  }
0x19: {  	[spmem:s4] =	stream.linear.scatter [tilespmem:s8], [sflag:$0x1], $0x280, $0x38;
	[tilespmem:$0x5410] =	vst v63  }
0x1a: {  	_ =	swait.ge [sflag:s9], $0x280  }
0x1b: {  	[sflag:s9] =	ssyncset.done $0x0  }
0x1c: {  	[sflag:s9] =	ssyncadd.s32 $0xFFFFFD80  }
0x1d: {  	[tilespmem:$0x4F10] =	vst v1  }
0x1e: {  	[tilespmem:$0x4F20] =	vst v2  }
0x1f: {  	[tilespmem:$0x4F30] =	vst v3  }
0x20: {  	[tilespmem:$0x4F40] =	vst v4  }
0x21: {  	[tilespmem:$0x4F50] =	vst v5  }
0x22: {  	[tilespmem:$0x4F60] =	vst v6  }
0x23: {  	[tilespmem:$0x4F70] =	vst v7  }
0x24: {  	[tilespmem:$0x4F80] =	vst v8  }
0x25: {  	[tilespmem:$0x4F90] =	vst v9  }
0x26: {  	[tilespmem:$0x4FA0] =	vst v10  }
0x27: {  	[tilespmem:$0x4FB0] =	vst v11  }
0x28: {  	[tilespmem:$0x4FC0] =	vst v12  }
0x29: {  	[tilespmem:$0x4FD0] =	vst v13  }
0x2a: {  	[tilespmem:$0x4FE0] =	vst v14  }
0x2b: {  	[tilespmem:$0x4FF0] =	vst v15  }
0x2c: {  	[tilespmem:$0x5000] =	vst v16  }
0x2d: {  	[tilespmem:$0x5010] =	vst v17  }
0x2e: {  	[tilespmem:$0x5020] =	vst v18  }
0x2f: {  	[tilespmem:$0x5030] =	vst v19  }
0x30: {  	[tilespmem:$0x5040] =	vst v20  }
0x31: {  	[tilespmem:$0x5050] =	vst v21  }
0x32: {  	[tilespmem:$0x5060] =	vst v22  }
0x33: {  	[tilespmem:$0x5070] =	vst v23  }
0x34: {  	[tilespmem:$0x5080] =	vst v24  }
0x35: {  	[tilespmem:$0x5090] =	vst v25  }
0x36: {  	[tilespmem:$0x50A0] =	vst v26  }
0x37: {  	[tilespmem:$0x50B0] =	vst v27  }
0x38: {  	[tilespmem:$0x50C0] =	vst v28  }
0x39: {  	[tilespmem:$0x50D0] =	vst v29  }
0x3a: {  	[tilespmem:$0x50E0] =	vst v30  }
0x3b: {  	[tilespmem:$0x50F0] =	vst v31  }
0x3c: {  	[tilespmem:$0x5100] =	vst v32  }
0x3d: {  	[tilespmem:$0x5110] =	vst v33  }
0x3e: {  	[tilespmem:$0x5120] =	vst v34  }
0x3f: {  	[tilespmem:$0x5130] =	vst v35  }
0x40: {  	[tilespmem:$0x5140] =	vst v36  }
0x41: {  	[tilespmem:$0x5150] =	vst v37  }
0x42: {  	[tilespmem:$0x5160] =	vst v38  }
0x43: {  	[tilespmem:$0x5170] =	vst v39  }
0x44: {  	[tilespmem:$0x5180] =	vst v40  }
0x45: {  	[tilespmem:s3], [sflag:$0x1] =	stream.linear.gather [hbm4b:s5+s3], $0x2710, $0x38;
	[tilespmem:$0x5410] =	vst v63  }
0x46: {  	_ =	swait.ge [sflag:s9], $0x2710  }
0x47: {  	[sflag:s9] =	ssyncset.done $0x0  }
0x48: {  	s23 =	simm.s32 $0xFFFFFFFC;
	s24 =	simm.s32 $0x20;
	[sflag:s9] =	ssyncadd.s32 $0xFFFFD8F0  }
.LBB2_4:
0x49: {  	v41 =	vld [tilespmem:s24+$0xFFFFFFE0];
	_ =	sdelay $0x4  }
0x4a: {  	(xrf1) =	vunique.msk.u32 $0xffff, v41;
	_ =	sdelay $0x6  }
0x4b: {  	v42 =	vshra.s32 v41, $0x1F  }
0x4c: {  	v42 =	vshrl.u32 v42, $0x1C  }
0x4d: {  	v42 =	vadd.s32 v42, v41  }
0x4e: {  	v42 =	vshrl.u32 v42, $0x4  }
0x4f: {  	v42 =	vshll.u32 v42, $0x4  }
0x50: {  	v43 =	vsub.s32 v41, v42  }
0x51: {  	v43 =	vand.u32 $0xFFFFFFF8, v43  }
0x52: {  	v41 =	vand.u32 $0x7, v41;
	v42 =	vadd.s32 v43, v42;
	_, v44, vm0 =	vpop (xrf1)  }
0x53: {  	v41 =	vor.u32 v41, v42;
	_ =	sdelay $0x2  }
0x54: {  	v51 =	vcvt.s32.f32 v44;
	_ =	sdelay $0x1  }
0x55: {  	[tilespmem:v41+s8+$0x0] =	vst.idx.add.f32.msk vm0, v51  }
0x56: {  	v41 =	vld [tilespmem:s24+$0xFFFFFFF0];
	_ =	sdelay $0x4  }
0x57: {  	(xrf1) =	vunique.msk.u32 $0xffff, v41;
	_ =	sdelay $0x7  }
0x58: {  	v52 =	vshra.s32 v41, $0x1F  }
0x59: {  	v42 =	vshrl.u32 v52, $0x1C  }
0x5a: {  	v42 =	vadd.s32 v42, v41  }
0x5b: {  	v42 =	vand.u32 $0xFFFFFFF0, v42  }
0x5c: {  	v53 =	vsub.s32 v41, v42  }
0x5d: {  	v43 =	vand.u32 $0xFFFFFFF8, v53  }
0x5e: {  	v41 =	vand.u32 $0x7, v41;
	v42 =	vadd.s32 v43, v42;
	_, v54, vm13 =	vpop (xrf1)  }
0x5f: {  	v41 =	vor.u32 v41, v42;
	_ =	sdelay $0x2  }
0x60: {  	v55 =	vcvt.s32.f32 v54;
	_ =	sdelay $0x1  }
0x61: {  	[tilespmem:v41+s8+$0x0] =	vst.idx.add.f32.msk vm13, v55  }
0x62: {  	v41 =	vld [tilespmem:s24+$0x0];
	_ =	sdelay $0x4  }
0x63: {  	(xrf1) =	vunique.msk.u32 $0xffff, v41;
	_ =	sdelay $0x7  }
0x64: {  	v56 =	vshra.s32 v41, $0x1F  }
0x65: {  	v42 =	vshrl.u32 v56, $0x1C  }
0x66: {  	v42 =	vadd.s32 v42, v41  }
0x67: {  	v42 =	vand.u32 $0xFFFFFFF0, v42  }
0x68: {  	v57 =	vsub.s32 v41, v42  }
0x69: {  	v43 =	vand.u32 $0xFFFFFFF8, v57  }
0x6a: {  	v41 =	vand.u32 $0x7, v41;
	v42 =	vadd.s32 v43, v42;
	_, v58, vm14 =	vpop (xrf1)  }
0x6b: {  	v41 =	vor.u32 v41, v42;
	_ =	sdelay $0x2  }
0x6c: {  	v59 =	vcvt.s32.f32 v58;
	_ =	sdelay $0x1  }
0x6d: {  	[tilespmem:v41+s8+$0x0] =	vst.idx.add.f32.msk vm14, v59  }
0x6e: {  	v41 =	vld [tilespmem:s24+$0x10];
	_ =	sdelay $0x4  }
0x6f: {  	(xrf1) =	vunique.msk.u32 $0xffff, v41;
	_ =	sdelay $0x7  }
0x70: {  	v60 =	vshra.s32 v41, $0x1F  }
0x71: {  	v42 =	vshrl.u32 v60, $0x1C  }
0x72: {  	v42 =	vadd.s32 v42, v41  }
0x73: {  	v42 =	vand.u32 $0xFFFFFFF0, v42  }
0x74: {  	v61 =	vsub.s32 v41, v42  }
0x75: {  	v43 =	vand.u32 $0xFFFFFFF8, v61  }
0x76: {  	s23 =	sadd.s32 $0x4, s23;
	v41 =	vand.u32 $0x7, v41;
	v42 =	vadd.s32 v43, v42;
	_, v62, vm15 =	vpop (xrf1)  }
0x77: {  	p0 =	slt.u32 s23, $0x26C;
	v41 =	vor.u32 v41, v42  }
.Ltmp1:
0x78: {  	_ = 	snop;
	(pc) =	sbr.rel @p0 .LBB2_4-.Ltmp1, $3  }
0x79: {  	_ = 	snop  }
0x7a: {  	v63 =	vcvt.s32.f32 v62;
	_ =	sdelay $0x1  }
0x7b: {  	s24 =	sadd.s32 $0x40, s24;
	[tilespmem:v41+s8+$0x0] =	vst.idx.add.f32.msk vm15, v63  }
0x7c: {  	v41 =	vld [tilespmem:$0x2700];
	_ =	sdelay $0x4  }
0x7d: {  	(xrf1) =	vunique.msk.u32 $0xffff, v41;
	_ =	sdelay $0x6  }
0x7e: {  	v42 =	vshra.s32 v41, $0x1F  }
0x7f: {  	v42 =	vshrl.u32 v42, $0x1C  }
0x80: {  	v42 =	vadd.s32 v42, v41  }
0x81: {  	v42 =	vshrl.u32 v42, $0x4  }
0x82: {  	v42 =	vshll.u32 v42, $0x4  }
0x83: {  	v43 =	vsub.s32 v41, v42  }
0x84: {  	v43 =	vand.u32 $0xFFFFFFF8, v43  }
0x85: {  	v41 =	vand.u32 $0x7, v41;
	v42 =	vadd.s32 v43, v42;
	_, v44, vm0 =	vpop (xrf1)  }
0x86: {  	v41 =	vor.u32 v41, v42;
	_ =	sdelay $0x2  }
0x87: {  	v63 =	vcvt.s32.f32 v44;
	_ =	sdelay $0x1  }
0x88: {  	[tilespmem:v41+s8+$0x0] =	vst.idx.add.f32.msk vm0, v63  }
0x89: {  	[bflag:$0x0] =	sbarrier.arrive $0xFFFF  }
0x8a: {  	[spmem:s2] =	stream.indirect.scatter.add.f32 [tilespmem:s8], [sflag:$0x1], $0x10, s11, s10, $0xb8;
	[tilespmem:$0x5410] =	vst v63  }
0x8b: {  	_ =	swait.ge [sflag:s9], $0x800  }
0x8c: {  	[sflag:s9] =	ssyncset.done $0x0  }
0x8d: {  	[sflag:s9] =	ssyncadd.s32 $0xFFFFF800  }
0x8e: {  	[spmem:s2] =	stream.indirect.scatter.add.f32 [tilespmem:s13], [sflag:$0x1], $0x10, s12, s10, $0xb8;
	[tilespmem:$0x5410] =	vst v63  }
0x8f: {  	_ =	swait.ge [sflag:s9], $0x800  }
0x90: {  	[sflag:s9] =	ssyncset.done $0x0  }
0x91: {  	[sflag:s9] =	ssyncadd.s32 $0xFFFFF800  }
0x92: {  	[spmem:s2] =	stream.indirect.scatter.add.f32 [tilespmem:s15], [sflag:$0x1], $0x10, s14, s10, $0xb8;
	[tilespmem:$0x5410] =	vst v63  }
0x93: {  	_ =	swait.ge [sflag:s9], $0x800  }
0x94: {  	[sflag:s9] =	ssyncset.done $0x0  }
0x95: {  	[sflag:s9] =	ssyncadd.s32 $0xFFFFF800  }
0x96: {  	[spmem:s2] =	stream.indirect.scatter.add.f32 [tilespmem:s17], [sflag:$0x1], $0x10, s16, s10, $0xb8;
	[tilespmem:$0x5410] =	vst v63  }
0x97: {  	_ =	swait.ge [sflag:s9], $0x800  }
0x98: {  	[sflag:s9] =	ssyncset.done $0x0  }
0x99: {  	[sflag:s9] =	ssyncadd.s32 $0xFFFFF800  }
0x9a: {  	[spmem:s2] =	stream.indirect.scatter.add.f32 [tilespmem:s19], [sflag:$0x1], $0x10, s18, s10, $0xb8;
	[tilespmem:$0x5410] =	vst v63  }
0x9b: {  	_ =	swait.ge [sflag:s9], $0x800  }
0x9c: {  	s22 =	sadd.s32 $0x1, s22;
	[sflag:s9] =	ssyncset.done $0x0  }
0x9d: {  	p0 =	sne.s32 s22, s7;
	[sflag:s9] =	ssyncadd.s32 $0xFFFFF800  }
.Ltmp2:
0x9e: {  	[bflag:$0x0] =	sbarrier.arrive $0xFFFF;
	(pc) =	sbr.rel @p0 .LBB2_1-.Ltmp2, $4  }
0x9f: {  	[hbm:s6], [sflag:s20] =	dma.local [spmem:s21], $0x50  }
0xa0: {  	_ =	swait.ge [sflag:s9], $0x50  }
0xa1: {  	[sflag:s9] =	ssyncset.done $0x0  }
0xa2: {  	[sflag:s9] =	ssyncadd.s32 $0xFFFFFFB0  }
0xa3: {  	_ =	sfence.sel $0x180000  }
0xa4: {  	[bflag:$0x0] =	sbarrier.arrive $0xFFFF  }
0xa5: {  	p0 =	sne.s32 s0, $0x0;
	_ =	strace $0x90000047  }
0xa6: {  	s0 =	sadd.s32 @!p0 $0x100000, s1;
	[bflag:$0x2] =	sbarrier.arrive $0xFFFF  }
0xa7: {  	[sflag:s0] =	ssyncadd.tile.s32 @!p0 $0x1;
	_ =	shalt  }
.Lfunc_end2:
_tile_overlayer_lowered:
.L_overlay_start_2:
0xa8: {  	(tag) =	ssettag $0x2  }
0xa9: {  	s0 =	rddreg [dreg:$0x0];
	s2 =	stileid.u32  }
0xaa: {  	s1 =	rddreg [dreg:$0x1];
	p0 =	sne.s32 s2, $0x0  }
0xab: {  	s3 =	rddreg [dreg:$0x2];
	[bflag:$0x3] =	sbarrier.arrive $0xFFFF;
	s2 =	simm.s32 @!p0 $0x1C01  }
0xac: {  	[timem:s3], [sflag:s2] =	dma.local @!p0 [hbm:s0], s1  }
0xad: {  	s0 =	simm.s32 @!p0 $0x1  }
0xae: {  	_ =	swait.ge @!p0 [sflag:s0], s1  }
0xaf: {  	s1 =	ssub.s32 @!p0 $0x0, s1;
	[sflag:s0] =	ssyncset.done @!p0 $0x0  }
0xb0: {  	[sflag:s0] =	ssyncadd.s32 @!p0 s1  }
0xb1: {  	[bflag:$0x3] =	sbarrier.arrive $0xFFFF  }
0xb2: {  	_ =	shalt  }

// kernel: kernel.9.cloned.1.call-start
scs
__scs_entry_jumppad:
0x0: {  	(pc) =	sbr.rel $0x88, $3  }
0x1: {  	(tag) =	ssettag $0x0;
	lr =	simm.s32 $0x1  }
0x2: {  	[smem:$0x3F9D] =	sst lr;
	_ =	strace $0xD0000000  }
0x3: {  	_ = 	snop  }
0x4: {  	_ = 	snop  }
0x5: {  	_ = 	snop  }
0x6: {  	_ = 	snop  }
0x7: {  	_ = 	snop  }
__scs_overlays_trampoline_lowered:
0x8: {  	[smem:$0x3FAC] =	sst s0  }
0x9: {  	[smem:$0x3FAD] =	sst s1  }
0xa: {  	[smem:$0x3FAE] =	sst s2  }
0xb: {  	[smem:$0x3FAF] =	sst s3  }
0xc: {  	[smem:$0x3FB0] =	sst s4  }
0xd: {  	[smem:$0x3FB1] =	sst s5  }
0xe: {  	[smem:$0x3FB2] =	sst s6  }
0xf: {  	[smem:$0x3FB3] =	sst s7  }
0x10: {  	[smem:$0x3FB4] =	sst s8  }
0x11: {  	[smem:$0x3FB5] =	sst s9;
	s0 =	simm.s32 @!p0 $0x0  }
0x12: {  	s1 =	sld [smem:$0x3F9B];
	s0 =	simm.s32 @p0 $0x1  }
0x13: {  	[smem:$0x3FB6] =	sst s0;
	s0 =	simm.s32 @!p1 $0x0  }
0x14: {  	s2 =	sld [smem:$0x3F9A];
	s0 =	simm.s32 @p1 $0x1  }
0x15: {  	[smem:$0x3FB7] =	sst s0;
	s0 =	simm.s32 @!p2 $0x0  }
0x16: {  	s3 =	sld [smem:$0x3FDB];
	s0 =	simm.s32 @p2 $0x1  }
0x17: {  	s4 =	simm.s32 $0x1BF5;
	[smem:$0x3FB9] =	sst s0  }
0x18: {  	s0 =	sld [smem:$0x3F9C];
	_ =	swait.ge [sflag:s4], $0x0  }
0x19: {  	s7 =	sld [smem:$0x3F9D]  }
0x1a: {  	s8 =	sadd.s32 $0xFFFFE003, lr  }
0x1b: {  	s9 =	sadd.s32 $0xFFFFFEF7, lr;
	s5 =	simm.s32 $0xFFFFFFFF;
	p2 =	slt.u32 s8, $0xFFFFF086  }
0x1c: {  	p1 =	slt.u32 s9, $0xF7A;
	s5 =	simm.s32 @!p2 $0x0  }
0x1d: {  	s5 =	simm.s32 @p1 $0x1;
	p0 =	seq.s32 s7, s2  }
0x1e: {  	s7 =	smul.u32 @!p0 $0xF7A, s2;
	p2 =	seq.s32 @!p0 s5, $0x0  }
0x1f: {  	s9 =	smul.u32 $0xF7A, s1;
	s8 =	simm.s32 @!p0 $0x1BF5;
	p2 =	por !p2, p0  }
0x20: {  	[sflag:s8] =	ssyncset.s32 @!p0 $0xFFFFF086;
	s6 =	sadd.s32 @!p0 s3, s7;
	s7 =	simm.s32 @!p0 $0x108  }
0x21: {  	s3 =	sadd.s32 s3, s9;
	s6 =	sadd.s32 @!p0 $0x88, s6;
	s7 =	simm.s32 @p2 $0x1082  }
0x22: {  	[simem:s7], [sflag:s8] =	dma.local @!p0 [hbm:s6], $0xF7A  }
0x23: {  	s9 =	sor.u32 $0xD0000000, s2;
	s6 =	simm.s32 $0x108;
	_ =	swait.ge @!p0 [sflag:s8], $0x0  }
0x24: {  	s3 =	sadd.s32 $0x88, s3;
	s6 =	simm.s32 @!p1 $0x1082;
	[sflag:s4] =	ssyncset.s32 $0xFFFFF086  }
0x25: {  	[simem:s6], [sflag:s4] =	dma.local [hbm:s3], $0xF7A  }
0x26: {  	[smem:$0x3F9D] =	sst s1;
	(tag) =	ssettag s2;
	_ =	strace s9  }
0x27: {  	s1 =	sld [smem:$0x3FAD]  }
0x28: {  	s2 =	sld [smem:$0x3FAE]  }
0x29: {  	s4 =	sld [smem:$0x3FB0]  }
0x2a: {  	p0 =	seq.s32 s5, $0x0;
	s5 =	sld [smem:$0x3FB1]  }
0x2b: {  	s6 =	sld [smem:$0x3FB2]  }
0x2c: {  	s7 =	sld [smem:$0x3FB3]  }
0x2d: {  	s3 =	simm.s32 $0x108;
	s8 =	sld [smem:$0x3FB4]  }
0x2e: {  	s3 =	simm.s32 @!p0 $0x1082;
	s9 =	sld [smem:$0x3FB5]  }
0x2f: {  	lr =	sadd.s32 s0, s3;
	s0 =	sld [smem:$0x3FAC]  }
0x30: {  	s3 =	sld [smem:$0x3FAF]  }
0x31: {  	[smem:$0x3FB8] =	sst s10  }
0x32: {  	s10 =	sld [smem:$0x3FB6];
	_ =	sdelay $0x3  }
0x33: {  	p0 =	seq.s32 s10, $0x1;
	s10 =	sld [smem:$0x3FB8];
	_ =	sdelay $0x3  }
0x34: {  	[smem:$0x3FB8] =	sst s10  }
0x35: {  	s10 =	sld [smem:$0x3FB7];
	_ =	sdelay $0x3  }
0x36: {  	p1 =	seq.s32 s10, $0x1;
	s10 =	sld [smem:$0x3FB8];
	_ =	sdelay $0x3  }
0x37: {  	[smem:$0x3FB8] =	sst s10  }
0x38: {  	s10 =	sld [smem:$0x3FB9]  }
0x39: {  	_ = 	snop;
	(pc) =	sbr.ind lr, $3  }
0x3a: {  	_ = 	snop  }
0x3b: {  	_ = 	snop  }
0x3c: {  	p2 =	seq.s32 s10, $0x1;
	s10 =	sld [smem:$0x3FB8]  }
0x3d: {  	_ =	shalt  }
0x3e: {  	_ =	shalt  }
0x3f: {  	_ =	shalt  }
0x40: {  	_ =	shalt  }
0x41: {  	_ =	shalt  }
0x42: {  	_ =	shalt  }
0x43: {  	_ =	shalt  }
0x44: {  	_ =	shalt  }
0x45: {  	_ =	shalt  }
0x46: {  	_ =	shalt  }
0x47: {  	_ =	shalt  }
0x48: {  	_ =	shalt  }
0x49: {  	_ =	shalt  }
0x4a: {  	_ =	shalt  }
0x4b: {  	_ =	shalt  }
0x4c: {  	_ =	shalt  }
0x4d: {  	_ =	shalt  }
0x4e: {  	_ =	shalt  }
0x4f: {  	_ =	shalt  }
0x50: {  	_ =	shalt  }
0x51: {  	_ =	shalt  }
0x52: {  	_ =	shalt  }
0x53: {  	_ =	shalt  }
0x54: {  	_ =	shalt  }
0x55: {  	_ =	shalt  }
0x56: {  	_ =	shalt  }
0x57: {  	_ =	shalt  }
0x58: {  	_ =	shalt  }
0x59: {  	_ =	shalt  }
0x5a: {  	_ =	shalt  }
0x5b: {  	_ =	shalt  }
0x5c: {  	_ =	shalt  }
0x5d: {  	_ =	shalt  }
0x5e: {  	_ =	shalt  }
0x5f: {  	_ =	shalt  }
0x60: {  	_ =	shalt  }
0x61: {  	_ =	shalt  }
0x62: {  	_ =	shalt  }
0x63: {  	_ =	shalt  }
0x64: {  	_ =	shalt  }
0x65: {  	_ =	shalt  }
0x66: {  	_ =	shalt  }
0x67: {  	_ =	shalt  }
0x68: {  	_ =	shalt  }
0x69: {  	_ =	shalt  }
0x6a: {  	_ =	shalt  }
0x6b: {  	_ =	shalt  }
0x6c: {  	_ =	shalt  }
0x6d: {  	_ =	shalt  }
0x6e: {  	_ =	shalt  }
0x6f: {  	_ =	shalt  }
0x70: {  	_ =	shalt  }
0x71: {  	_ =	shalt  }
0x72: {  	_ =	shalt  }
0x73: {  	_ =	shalt  }
0x74: {  	_ =	shalt  }
0x75: {  	_ =	shalt  }
0x76: {  	_ =	shalt  }
0x77: {  	_ =	shalt  }
0x78: {  	_ =	shalt  }
0x79: {  	_ =	shalt  }
0x7a: {  	_ =	shalt  }
0x7b: {  	_ =	shalt  }
0x7c: {  	_ =	shalt  }
0x7d: {  	_ =	shalt  }
0x7e: {  	_ =	shalt  }
0x7f: {  	_ =	shalt  }
0x80: {  	_ =	shalt  }
0x81: {  	_ =	shalt  }
0x82: {  	_ =	shalt  }
0x83: {  	_ =	shalt  }
0x84: {  	_ =	shalt  }
0x85: {  	_ =	shalt  }
0x86: {  	_ =	shalt  }
0x87: {  	_ =	shalt  }
.Lfunc_end0:
.L_simem_size_0:
called_computation.1_lowered:
.L_overlay_start_0:
0x88: {  	s2 =	sld [smem:$0x3FD9]  }
0x89: {  	s3 =	sld [smem:$0x3FFE];
	_ =	sdelay $0x1  }
0x8a: {  	s1 =	srdreg.scid  }
0x8b: {  	s0 =	sand.u32 $0x1, s1  }
0x8c: {  	s17 =	sshll.u32 s0, $0xA;
	s2 =	sadd.s32 s3, s2  }
0x8d: {  	s2 =	sadd.s32 s2, s17  }
0x8e: {  	[smem:$0x3FC4] =	sst s2  }
0x8f: {  	_ = 	snop  }
0x90: {  	s2 =	sld [smem:$0x3FD0];
	(tm) =	ssettm $0x1  }
0x91: {  	s18 =	sld [smem:$0x3FFB];
	_ =	sdelay $0x3  }
0x92: {  	_ =	strace s18  }
0x93: {  	s3 =	sld [smem:$0x3FFC];
	_ =	sdelay $0x3  }
0x94: {  	_ =	strace s3  }
0x95: {  	s3 =	sld [smem:$0x3FFD];
	_ =	sdelay $0x3  }
0x96: {  	_ =	strace s3  }
0x97: {  	_ =	strace $0x8FFFFFFF  }
0x98: {  	s19 =	sld [smem:$0x3FDB];
	_ =	sdelay $0x1  }
0x99: {  	s4 =	simm.s32 $_scs_section_size  }
0x9a: {  	s5 =	simm.s32 $_size__tile_overlayer_lowered;
	s6 =	simm.s32 $_tile_overlayer_lowered  }
0x9b: {  	s22 =	simm.s32 $0x1BFF;
	s21 =	sshll.u32 s6, $0x1;
	s3 =	sadd.s32 s4, s19  }
0x9c: {  	s7 =	simm.s32 $0x0;
	s20 =	sshll.u32 s5, $0x1;
	s5 =	sadd.s32 s21, s3  }
0x9d: {  	[timem:s7], [sflag:s22] =	dma.local [hbm:s5], s20  }
0x9e: {  	_ =	swait.ge [sflag:s22], s20  }
0x9f: {  	s4 =	ssub.s32 $0x0, s20;
	[sflag:s22] =	ssyncset.done $0x0  }
0xa0: {  	[sflag:s22] =	ssyncadd.s32 s4;
	_ =	sdelay $0x1  }
0xa1: {  	s23 =	simm.s32 $0x1B8B  }
0xa2: {  	_ =	swait.ge [sflag:s23], $0x1  }
0xa3: {  	[sflag:s23] =	ssyncset.done $0x0  }
0xa4: {  	s25 =	simm.s32 $0x1B8E;
	s24 =	sld [smem:$0x3FFE];
	[sflag:s23] =	ssyncadd.s32 $0xFFFFFFFF  }
0xa5: {  	s26 =	simm.s32 $execute0_lowered;
	[smem:$0x3FD2] =	sst s25  }
0xa6: {  	s5 =	sshll.u32 s26, $0x1;
	_ =	strace $0x80000049;
	[dreg:$0x1] =	wrdreg $0xFFFFFFFF  }
0xa7: {  	s28 =	simm.s32 $_size_execute0_lowered;
	s3 =	sadd.s32 s3, s5;
	[dreg:$0x0] =	wrdreg $0x0  }
0xa8: {  	s5 =	sshll.u32 s28, $0x1;
	[dreg:$0x2] =	wrdreg s3  }
0xa9: {  	[dreg:$0x3] =	wrdreg s5  }
0xaa: {  	[dreg:$0x4] =	wrdreg $0xC0  }
0xab: {  	_ =	task [dreg:s7], $0x5FFFF  }
0xac: {  	[dreg:$0x1] =	wrdreg $0xFFFFFFFF  }
0xad: {  	[dreg:$0x0] =	wrdreg $0x60  }
0xae: {  	[dreg:$0x2] =	wrdreg s2  }
0xaf: {  	[dreg:$0x3] =	wrdreg s24  }
0xb0: {  	[dreg:$0x4] =	wrdreg $0xA5000  }
0xb1: {  	[dreg:$0x5] =	wrdreg $0x9  }
0xb2: {  	_ =	task.clear_ibuf [dreg:s7], $0x6FFFF;
	_ =	strace $0x90000049  }
0xb3: {  	s29 =	simm.s32 $0x9;
	_ =	strace $0x8000004B  }
0xb4: {  	_ =	swait.ge [sflag:s29], $0x1  }
0xb5: {  	[sflag:s29] =	ssyncadd.s32 $0xFFFFFFFF  }
0xb6: {  	_ =	strace $0x9000004B  }
0xb7: {  	_ =	sfence  }
0xb8: {  	s30 =	sld [smem:$0x0];
	_ =	sdelay $0x2  }
0xb9: {  	s31 =	sshll.u32 s1, $0xD;
	s1 =	sshrl.u32 s1, $0x2  }
0xba: {  	s3 =	sand.u32 $0x4000, s31;
	s1 =	sadd.s32 s1, s30  }
0xbb: {  	s0 =	sor.u32 s3, s0;
	s1 =	sshll.u32 s1, $0x11  }
0xbc: {  	s0 =	sor.u32 s1, s0  }
0xbd: {  	s0 =	sadd.s32 $0x8F2B, s0  }
0xbe: {  	[sflag:s0] =	ssyncadd.remote.s32 $0x1  }
0xbf: {  	_ =	sfence.sel $0xFFFF  }
0xc0: {  	[dreg:$0x0] =	wrdreg $0xFFFFFFFF;
	(pc) =	sbr.abs _section_cstart, $3  }
0xc1: {  	[dreg:$0x1] =	wrdreg $0xFFFFFFFF  }
0xc2: {  	_ =	task.clear_ibuf [dreg:s7], $0x2FFFF;
	_ =	strace $0x9FFFFFFF  }
0xc3: {  	(tm) =	ssettm $0x7FFFFFFF  }
tec
execute0_lowered:
.L_overlay_start_1:
0x0: {  	(tag) =	ssettag $0x1  }
0x1: {  	s2 =	rddreg [dreg:$0x0]  }
0x2: {  	s6 =	rddreg [dreg:$0x1]  }
0x3: {  	s0 =	srdreg.scid;
	s3 =	rddreg [dreg:$0x2]  }
0x4: {  	s4 =	simm.s32 $0x0;
	s16 =	simm.s32 $0x2800;
	s17 =	simm.s32 $0x5  }
0x5: {  	s18 =	simm.s32 $0x1400;
	s19 =	simm.s32 $0x7D;
	s20 =	simm.s32 $0x80  }
0x6: {  	s21 =	simm.s32 $0x6680;
	s22 =	simm.s32 $0x1;
	s23 =	simm.s32 $0x3  }
0x7: {  	s24 =	simm.s32 $0x2;
	s5 =	sand.u32 $0x1, s0;
	s0 =	stileid.u32  }
0x8: {  	s25 =	simm.s32 $0x4;
	s26 =	simm.s32 $0x2700;
	s8 =	smul.u32 $0x13880, s0  }
0x9: {  	s28 =	simm.s32 $0x2780;
	s1 =	sshll.u32 s5, $0x4;
	s9 =	smul.u32 $0x138800, s5  }
0xa: {  	s10 =	smul.u32 $0x4E200, s0;
	s5 =	ssub.s32 $0x2, s5;
	s1 =	sor.u32 s0, s1  }
0xb: {  	[smem:$0x7FF] =	sst s4;
	s31 =	sshrl.u32 s5, $0x1;
	s7 =	smul.u32 $0x2800, s1  }
0xc: {  	s1 =	rddreg [dreg:$0x3];
	_ =	strace $0x8000004A;
	s29 =	sadd.s32 s8, s9  }
0xd: {  	s30 =	sshrl.u32 s10, $0x2;
	s15 =	ssub.s32 s5, s31;
	s5 =	sadd.s32 s8, s3  }
0xe: {  	s9 =	sadd.s32 s30, s3;
	s15 =	smax.u32 s15, $0x1;
	s7 =	sshrl.u32 s7, $0x3  }
0xf: {  	s8 =	sadd.s32 $0xBB80, s9;
	s13 =	sadd.s32 s7, s6;
	s7 =	sshrl.u32 s29, $0x3  }
0x10: {  	s14 =	sadd.s32 s7, s6;
	s6 =	sadd.s32 $0x3E80, s9;
	s7 =	sadd.s32 $0x7D00, s9  }
0x11: {  	s9 =	sadd.s32 $0xFA00, s9;
	s10 =	sadd.s32 $0x2600, s13;
	s11 =	sadd.s32 $0xC600, s13  }
0x12: {  	v0 =	vimm.f32 $0.0e+00;
	s12 =	sadd.s32 $0x2880, s13;
	s13 =	sadd.s32 $0xC880, s13;
	s14 =	sadd.s32 $0x16600, s14  }
.LBB2_1:
0x13: {  	s29 =	simm.s32 $0x0;
	s30 =	simm.s32 $0x200  }
.LBB2_2:
0x14: {  	p0 =	sne.s32 s30, $0xF800;
	[tilespmem:s29+$0x2870] =	vst v0  }
0x15: {  	[tilespmem:s29+$0x2800] =	vst v0  }
0x16: {  	[tilespmem:s29+$0x2810] =	vst v0  }
.Ltmp0:
0x17: {  	[tilespmem:s29+$0x2820] =	vst v0;
	(pc) =	sbr.rel @p0 .LBB2_2-.Ltmp0, $4  }
0x18: {  	[tilespmem:s29+$0x2830] =	vst v0  }
0x19: {  	[tilespmem:s29+$0x2840] =	vst v0  }
0x1a: {  	[tilespmem:s29+$0x2850] =	vst v0  }
0x1b: {  	[tilespmem:s29+$0x2860] =	vst v0;
	s29 =	sshra.s32 s30, $0x2;
	s30 =	sadd.s32 $0x200, s30  }
0x1c: {  	[tilespmem:s29+$0x2870] =	vst v0  }
0x1d: {  	[tilespmem:s29+$0x2800] =	vst v0  }
0x1e: {  	[tilespmem:s29+$0x2810] =	vst v0  }
0x1f: {  	[tilespmem:s29+$0x2820] =	vst v0  }
0x20: {  	[tilespmem:s29+$0x2830] =	vst v0  }
0x21: {  	[tilespmem:s29+$0x2840] =	vst v0  }
0x22: {  	[tilespmem:s29+$0x2850] =	vst v0  }
0x23: {  	[tilespmem:s29+$0x2860] =	vst v0  }
0x24: {  	[spmem:s5] =	stream.linear.scatter [tilespmem:s16], [sflag:$0x5], $0x3E80, $0x38;
	[tilespmem:$0x1DD80] =	vst v63  }
0x25: {  	_ =	swait.ge [sflag:s17], $0x3E80  }
0x26: {  	[sflag:s17] =	ssyncset.done $0x0  }
0x27: {  	[sflag:s17] =	ssyncadd.s32 $0xFFFFC180  }
0x28: {  	[spmem:s6] =	stream.linear.scatter [tilespmem:s16], [sflag:$0x5], $0x3E80, $0x38;
	[tilespmem:$0x1DD80] =	vst v63  }
0x29: {  	_ =	swait.ge [sflag:s17], $0x3E80  }
0x2a: {  	[sflag:s17] =	ssyncset.done $0x0  }
0x2b: {  	[sflag:s17] =	ssyncadd.s32 $0xFFFFC180  }
0x2c: {  	[spmem:s7] =	stream.linear.scatter [tilespmem:s16], [sflag:$0x5], $0x3E80, $0x38;
	[tilespmem:$0x1DD80] =	vst v63  }
0x2d: {  	_ =	swait.ge [sflag:s17], $0x3E80  }
0x2e: {  	[sflag:s17] =	ssyncset.done $0x0  }
0x2f: {  	[sflag:s17] =	ssyncadd.s32 $0xFFFFC180  }
0x30: {  	[spmem:s8] =	stream.linear.scatter [tilespmem:s16], [sflag:$0x5], $0x3E80, $0x38;
	[tilespmem:$0x1DD80] =	vst v63  }
0x31: {  	_ =	swait.ge [sflag:s17], $0x3E80  }
0x32: {  	[sflag:s17] =	ssyncset.done $0x0  }
0x33: {  	[sflag:s17] =	ssyncadd.s32 $0xFFFFC180  }
0x34: {  	[spmem:s9] =	stream.linear.scatter [tilespmem:s16], [sflag:$0x5], $0x3E80, $0x38;
	[tilespmem:$0x1DD80] =	vst v63  }
0x35: {  	_ =	swait.ge [sflag:s17], $0x3E80  }
0x36: {  	[sflag:s17] =	ssyncset.done $0x0  }
0x37: {  	[sflag:s17] =	ssyncadd.s32 $0xFFFFC180  }
0x38: {  	s29 =	simm.s32 $0x0;
	[bflag:$0x0] =	sbarrier.arrive $0xFFFF  }
0x39: {  	[tilespmem:s29], [sflag:$0x5] =	stream.linear.gather [hbm4b:s10+s29], $0x1400, $0x38;
	[tilespmem:$0x1DD80] =	vst v63  }
0x3a: {  	_ =	swait.ge [sflag:s17], $0x1400  }
0x3b: {  	[sflag:s17] =	ssyncset.done $0x0  }
0x3c: {  	[sflag:s17] =	ssyncadd.s32 $0xFFFFEC00  }
0x3d: {  	[tilespmem:s18], [sflag:$0x5] =	stream.linear.gather [hbm4b:s11+s29], $0x1400, $0x38;
	[tilespmem:$0x1DD80] =	vst v63  }
0x3e: {  	_ =	swait.ge [sflag:s17], $0x1400  }
0x3f: {  	[sflag:s17] =	ssyncset.done $0x0  }
0x40: {  	[sflag:s17] =	ssyncadd.s32 $0xFFFFEC00  }
0x41: {  	[tilespmem:s16], [sflag:$0x1] =	stream.indirect.gather [hbm4b:s2+s19], $0x80, s29, s19, $0xb8;
	[tilespmem:$0x1DD80] =	vst v63  }
0x42: {  	_ = 	snop  }
0x43: {  	[tilespmem:s21], [sflag:$0x2] =	stream.indirect.gather [hbm4b:s2+s19], $0x80, s20, s19, $0xb8;
	[tilespmem:$0x1DD80] =	vst v63  }
0x44: {  	_ =	swait.ge [sflag:s22], $0x3E80  }
0x45: {  	[sflag:s22] =	ssyncset.done $0x0  }
0x46: {  	s29 =	simm.s32 $0x1400;
	[sflag:s22] =	ssyncadd.s32 $0xFFFFC180  }
0x47: {  	[spmem:s3] =	stream.indirect.scatter.add.f32 [tilespmem:s16], [sflag:$0x3], $0x80, s29, s19, $0xb8;
	[tilespmem:$0x1DD80] =	vst v63  }
0x48: {  	_ =	swait.ge [sflag:s23], $0x3E80  }
0x49: {  	[sflag:s23] =	ssyncset.done $0x0  }
0x4a: {  	s29 =	simm.s32 $0x100;
	[sflag:s23] =	ssyncadd.s32 $0xFFFFC180  }
0x4b: {  	[tilespmem:s16], [sflag:$0x1] =	stream.indirect.gather [hbm4b:s2+s19], $0x80, s29, s19, $0xb8;
	[tilespmem:$0x1DD80] =	vst v63  }
0x4c: {  	_ =	swait.ge [sflag:s24], $0x3E80  }
0x4d: {  	[sflag:s24] =	ssyncset.done $0x0  }
0x4e: {  	s29 =	simm.s32 $0x1480;
	[sflag:s24] =	ssyncadd.s32 $0xFFFFC180  }
0x4f: {  	[spmem:s3] =	stream.indirect.scatter.add.f32 [tilespmem:s21], [sflag:$0x4], $0x80, s29, s19, $0xb8;
	[tilespmem:$0x1DD80] =	vst v63  }
0x50: {  	_ =	swait.ge [sflag:s25], $0x3E80  }
0x51: {  	[sflag:s25] =	ssyncset.done $0x0  }
0x52: {  	s30 =	simm.s32 $0x180;
	s29 =	simm.s32 $0x400;
	[sflag:s25] =	ssyncadd.s32 $0xFFFFC180  }
.LBB2_4:
0x53: {  	[tilespmem:s21], [sflag:$0x2] =	stream.indirect.gather [hbm4b:s2+s19], $0x80, s30, s19, $0xb8;
	[tilespmem:$0x1DD80] =	vst v63  }
0x54: {  	s30 =	smov.u32 s29  }
0x55: {  	p0 =	sne.s32 s29, $0x4800;
	s29 =	sadd.s32 $0x400, s29;
	_ =	swait.ge [sflag:s22], $0x3E80  }
0x56: {  	s30 =	sshra.s32 s30, $0x2;
	[sflag:s22] =	ssyncset.done $0x0  }
0x57: {  	s31 =	sadd.s32 $0x1400, s30;
	[sflag:s22] =	ssyncadd.s32 $0xFFFFC180  }
0x58: {  	[spmem:s3] =	stream.indirect.scatter.add.f32 [tilespmem:s16], [sflag:$0x3], $0x80, s31, s19, $0xb8;
	[tilespmem:$0x1DD80] =	vst v63  }
0x59: {  	_ =	swait.ge [sflag:s23], $0x3E80  }
0x5a: {  	[sflag:s23] =	ssyncset.done $0x0  }
0x5b: {  	s31 =	sadd.s32 $0x100, s30;
	[sflag:s23] =	ssyncadd.s32 $0xFFFFC180  }
0x5c: {  	[tilespmem:s16], [sflag:$0x1] =	stream.indirect.gather [hbm4b:s2+s19], $0x80, s31, s19, $0xb8;
	[tilespmem:$0x1DD80] =	vst v63  }
0x5d: {  	_ =	swait.ge [sflag:s24], $0x3E80  }
0x5e: {  	[sflag:s24] =	ssyncset.done $0x0  }
.Ltmp1:
0x5f: {  	s31 =	sadd.s32 $0x1480, s30;
	[sflag:s24] =	ssyncadd.s32 $0xFFFFC180;
	(pc) =	sbr.rel @p0 .LBB2_4-.Ltmp1, $4  }
0x60: {  	[spmem:s3] =	stream.indirect.scatter.add.f32 [tilespmem:s21], [sflag:$0x4], $0x80, s31, s19, $0xb8;
	[tilespmem:$0x1DD80] =	vst v63  }
0x61: {  	_ =	swait.ge [sflag:s25], $0x3E80  }
0x62: {  	[sflag:s25] =	ssyncset.done $0x0  }
0x63: {  	s30 =	sadd.s32 $0x180, s30;
	[sflag:s25] =	ssyncadd.s32 $0xFFFFC180  }
0x64: {  	[tilespmem:s21], [sflag:$0x2] =	stream.indirect.gather [hbm4b:s2+s19], $0x80, s30, s19, $0xb8;
	[tilespmem:$0x1DD80] =	vst v63  }
0x65: {  	_ =	swait.ge [sflag:s22], $0x3E80  }
0x66: {  	[sflag:s22] =	ssyncset.done $0x0  }
0x67: {  	[sflag:s22] =	ssyncadd.s32 $0xFFFFC180  }
0x68: {  	[spmem:s3] =	stream.indirect.scatter.add.f32 [tilespmem:s16], [sflag:$0x3], $0x80, s26, s19, $0xb8;
	[tilespmem:$0x1DD80] =	vst v63  }
0x69: {  	_ =	swait.ge [sflag:s23], $0x3E80  }
0x6a: {  	[sflag:s23] =	ssyncset.done $0x0  }
0x6b: {  	[sflag:s23] =	ssyncadd.s32 $0xFFFFC180  }
0x6c: {  	_ =	swait.ge [sflag:s24], $0x3E80  }
0x6d: {  	[sflag:s24] =	ssyncset.done $0x0  }
0x6e: {  	[sflag:s24] =	ssyncadd.s32 $0xFFFFC180  }
0x6f: {  	[spmem:s3] =	stream.indirect.scatter.add.f32 [tilespmem:s21], [sflag:$0x4], $0x80, s28, s19, $0xb8;
	[tilespmem:$0x1DD80] =	vst v63  }
0x70: {  	_ =	swait.ge [sflag:s25], $0x3E80  }
0x71: {  	[sflag:s25] =	ssyncset.done $0x0  }
0x72: {  	s29 =	simm.s32 $0x0;
	[sflag:s25] =	ssyncadd.s32 $0xFFFFC180  }
0x73: {  	[tilespmem:s29], [sflag:$0x5] =	stream.linear.gather [hbm4b:s12+s29], $0x1400, $0x38;
	[tilespmem:$0x1DD80] =	vst v63  }
0x74: {  	_ =	swait.ge [sflag:s17], $0x1400  }
0x75: {  	[sflag:s17] =	ssyncset.done $0x0  }
0x76: {  	[sflag:s17] =	ssyncadd.s32 $0xFFFFEC00  }
0x77: {  	[tilespmem:s18], [sflag:$0x5] =	stream.linear.gather [hbm4b:s13+s29], $0x1400, $0x38;
	[tilespmem:$0x1DD80] =	vst v63  }
0x78: {  	_ =	swait.ge [sflag:s17], $0x1400  }
0x79: {  	[sflag:s17] =	ssyncset.done $0x0  }
0x7a: {  	[sflag:s17] =	ssyncadd.s32 $0xFFFFEC00  }
0x7b: {  	[tilespmem:s16], [sflag:$0x1] =	stream.indirect.gather [hbm4b:s2+s19], $0x80, s29, s19, $0xb8;
	[tilespmem:$0x1DD80] =	vst v63  }
0x7c: {  	_ = 	snop  }
0x7d: {  	[tilespmem:s21], [sflag:$0x2] =	stream.indirect.gather [hbm4b:s2+s19], $0x80, s20, s19, $0xb8;
	[tilespmem:$0x1DD80] =	vst v63  }
0x7e: {  	_ =	swait.ge [sflag:s22], $0x3E80  }
0x7f: {  	[sflag:s22] =	ssyncset.done $0x0  }
0x80: {  	s29 =	simm.s32 $0x1400;
	[sflag:s22] =	ssyncadd.s32 $0xFFFFC180  }
0x81: {  	[spmem:s3] =	stream.indirect.scatter.add.f32 [tilespmem:s16], [sflag:$0x3], $0x80, s29, s19, $0xb8;
	[tilespmem:$0x1DD80] =	vst v63  }
0x82: {  	_ =	swait.ge [sflag:s23], $0x3E80  }
0x83: {  	[sflag:s23] =	ssyncset.done $0x0  }
0x84: {  	s29 =	simm.s32 $0x100;
	[sflag:s23] =	ssyncadd.s32 $0xFFFFC180  }
0x85: {  	[tilespmem:s16], [sflag:$0x1] =	stream.indirect.gather [hbm4b:s2+s19], $0x80, s29, s19, $0xb8;
	[tilespmem:$0x1DD80] =	vst v63  }
0x86: {  	_ =	swait.ge [sflag:s24], $0x3E80  }
0x87: {  	[sflag:s24] =	ssyncset.done $0x0  }
0x88: {  	s29 =	simm.s32 $0x1480;
	[sflag:s24] =	ssyncadd.s32 $0xFFFFC180  }
0x89: {  	[spmem:s3] =	stream.indirect.scatter.add.f32 [tilespmem:s21], [sflag:$0x4], $0x80, s29, s19, $0xb8;
	[tilespmem:$0x1DD80] =	vst v63  }
0x8a: {  	_ =	swait.ge [sflag:s25], $0x3E80  }
0x8b: {  	[sflag:s25] =	ssyncset.done $0x0  }
0x8c: {  	s30 =	simm.s32 $0x180;
	s29 =	simm.s32 $0x400;
	[sflag:s25] =	ssyncadd.s32 $0xFFFFC180  }
.LBB2_6:
0x8d: {  	[tilespmem:s21], [sflag:$0x2] =	stream.indirect.gather [hbm4b:s2+s19], $0x80, s30, s19, $0xb8;
	[tilespmem:$0x1DD80] =	vst v63  }
0x8e: {  	s30 =	smov.u32 s29  }
0x8f: {  	p0 =	sne.s32 s29, $0x4800;
	s29 =	sadd.s32 $0x400, s29;
	_ =	swait.ge [sflag:s22], $0x3E80  }
0x90: {  	s30 =	sshra.s32 s30, $0x2;
	[sflag:s22] =	ssyncset.done $0x0  }
0x91: {  	s31 =	sadd.s32 $0x1400, s30;
	[sflag:s22] =	ssyncadd.s32 $0xFFFFC180  }
0x92: {  	[spmem:s3] =	stream.indirect.scatter.add.f32 [tilespmem:s16], [sflag:$0x3], $0x80, s31, s19, $0xb8;
	[tilespmem:$0x1DD80] =	vst v63  }
0x93: {  	_ =	swait.ge [sflag:s23], $0x3E80  }
0x94: {  	[sflag:s23] =	ssyncset.done $0x0  }
0x95: {  	s31 =	sadd.s32 $0x100, s30;
	[sflag:s23] =	ssyncadd.s32 $0xFFFFC180  }
0x96: {  	[tilespmem:s16], [sflag:$0x1] =	stream.indirect.gather [hbm4b:s2+s19], $0x80, s31, s19, $0xb8;
	[tilespmem:$0x1DD80] =	vst v63  }
0x97: {  	_ =	swait.ge [sflag:s24], $0x3E80  }
0x98: {  	[sflag:s24] =	ssyncset.done $0x0  }
.Ltmp2:
0x99: {  	s31 =	sadd.s32 $0x1480, s30;
	[sflag:s24] =	ssyncadd.s32 $0xFFFFC180;
	(pc) =	sbr.rel @p0 .LBB2_6-.Ltmp2, $4  }
0x9a: {  	[spmem:s3] =	stream.indirect.scatter.add.f32 [tilespmem:s21], [sflag:$0x4], $0x80, s31, s19, $0xb8;
	[tilespmem:$0x1DD80] =	vst v63  }
0x9b: {  	_ =	swait.ge [sflag:s25], $0x3E80  }
0x9c: {  	[sflag:s25] =	ssyncset.done $0x0  }
0x9d: {  	s30 =	sadd.s32 $0x180, s30;
	[sflag:s25] =	ssyncadd.s32 $0xFFFFC180  }
0x9e: {  	[tilespmem:s21], [sflag:$0x2] =	stream.indirect.gather [hbm4b:s2+s19], $0x80, s30, s19, $0xb8;
	[tilespmem:$0x1DD80] =	vst v63  }
0x9f: {  	_ =	swait.ge [sflag:s22], $0x3E80  }
0xa0: {  	[sflag:s22] =	ssyncset.done $0x0  }
0xa1: {  	[sflag:s22] =	ssyncadd.s32 $0xFFFFC180  }
0xa2: {  	[spmem:s3] =	stream.indirect.scatter.add.f32 [tilespmem:s16], [sflag:$0x3], $0x80, s26, s19, $0xb8;
	[tilespmem:$0x1DD80] =	vst v63  }
0xa3: {  	_ =	swait.ge [sflag:s23], $0x3E80  }
0xa4: {  	[sflag:s23] =	ssyncset.done $0x0  }
0xa5: {  	[sflag:s23] =	ssyncadd.s32 $0xFFFFC180  }
0xa6: {  	_ =	swait.ge [sflag:s24], $0x3E80  }
0xa7: {  	[sflag:s24] =	ssyncset.done $0x0  }
0xa8: {  	[sflag:s24] =	ssyncadd.s32 $0xFFFFC180  }
0xa9: {  	[spmem:s3] =	stream.indirect.scatter.add.f32 [tilespmem:s21], [sflag:$0x4], $0x80, s28, s19, $0xb8;
	[tilespmem:$0x1DD80] =	vst v63  }
0xaa: {  	_ =	swait.ge [sflag:s25], $0x3E80  }
0xab: {  	s29 =	sshll.u32 s0, $0x6;
	s4 =	sadd.s32 $0x1, s4;
	[sflag:s25] =	ssyncset.done $0x0  }
0xac: {  	s31 =	sshrl.u32 s5, $0x3;
	p0 =	sne.s32 s4, s15;
	[sflag:s25] =	ssyncadd.s32 $0xFFFFC180  }
.Ltmp3:
0xad: {  	s29 =	sor.u32 $0x1C05, s29;
	[bflag:$0x0] =	sbarrier.arrive $0xFFFF;
	(pc) =	sbr.rel @p0 .LBB2_1-.Ltmp3, $4  }
0xae: {  	[hbm:s14], [sflag:s29] =	dma.local [spmem:s31], $0x2710  }
0xaf: {  	_ =	swait.ge [sflag:s17], $0x2710  }
0xb0: {  	[sflag:s17] =	ssyncset.done $0x0  }
0xb1: {  	[sflag:s17] =	ssyncadd.s32 $0xFFFFD8F0  }
0xb2: {  	_ =	sfence.sel $0x180000  }
0xb3: {  	[bflag:$0x0] =	sbarrier.arrive $0xFFFF  }
0xb4: {  	p0 =	sne.s32 s0, $0x0;
	_ =	strace $0x9000004A  }
0xb5: {  	s0 =	sadd.s32 @!p0 $0x100000, s1;
	[bflag:$0x2] =	sbarrier.arrive $0xFFFF  }
0xb6: {  	[sflag:s0] =	ssyncadd.tile.s32 @!p0 $0x1;
	_ =	shalt  }
.Lfunc_end2:
_tile_overlayer_lowered:
.L_overlay_start_2:
0xb7: {  	(tag) =	ssettag $0x2  }
0xb8: {  	s0 =	rddreg [dreg:$0x0];
	s2 =	stileid.u32  }
0xb9: {  	s1 =	rddreg [dreg:$0x1];
	p0 =	sne.s32 s2, $0x0  }
0xba: {  	s3 =	rddreg [dreg:$0x2];
	[bflag:$0x3] =	sbarrier.arrive $0xFFFF;
	s2 =	simm.s32 @!p0 $0x1C05  }
0xbb: {  	[timem:s3], [sflag:s2] =	dma.local @!p0 [hbm:s0], s1  }
0xbc: {  	s0 =	simm.s32 @!p0 $0x5  }
0xbd: {  	_ =	swait.ge @!p0 [sflag:s0], s1  }
0xbe: {  	s1 =	ssub.s32 @!p0 $0x0, s1;
	[sflag:s0] =	ssyncset.done @!p0 $0x0  }
0xbf: {  	[sflag:s0] =	ssyncadd.s32 @!p0 s1  }
0xc0: {  	[bflag:$0x3] =	sbarrier.arrive $0xFFFF  }
0xc1: {  	_ =	shalt  }

</sc_bundles>
